<compile_context>
chip_gen: v7x
topology: tpu7x:2x2x1
jax: 0.10.2.dev20260603
libtpu: 0.0.44.dev20260713+nightly
codegen_flags: <defaults>
</compile_context>

<pallas_src>
import functools

import jax
import jax.numpy as jnp
from jax import lax
from jax.experimental import pallas as pl
from jax.experimental.pallas import tpu as pltpu
from jax.experimental.pallas import tpu_sc as plsc

N = 2048
G = 2048
K = 16
G_TILE = 512
NW = 32
PAIRS_PER_W = (G * K) // 2
WORDS_PER_W = PAIRS_PER_W * 3


def _knn_idx_body(pcd_ref, pfull_ref, xt_ref, out_ref):
    ct = pcd_ref[0]
    pf = pfull_ref[0]
    xt = xt_ref[0]
    sq = jnp.sum(xt * xt, axis=0, keepdims=True)
    sqg = jnp.sum(ct * ct, axis=1, keepdims=True)
    dots = jax.lax.dot_general(ct, pf, (((1,), (1,)), ((), ())),
                               preferred_element_type=jnp.float32)
    d2 = (sqg + sq) - 2.0 * dots
    ii = lax.broadcasted_iota(jnp.int32, (G_TILE, N), 1)
    idxs = []
    for _ in range(K):
        m = jnp.min(d2, axis=1, keepdims=True)
        cand = jnp.where(d2 == m, ii, N)
        im = jnp.min(cand, axis=1, keepdims=True)
        onehot = ii == im
        idxs.append(im)
        d2 = jnp.where(onehot, jnp.inf, d2)
    out_ref[0] = jnp.concatenate(idxs, axis=1)


def _sc_gather_body(tab_hbm, idx_hbm, out_hbm, tab_v, idx_v, out_v):
    wid = lax.axis_index("s") * 2 + lax.axis_index("c")
    b = wid >> 1
    half = wid & 1
    pltpu.sync_copy(tab_hbm.at[b], tab_v)
    pltpu.sync_copy(idx_hbm.at[wid], idx_v)
    lanes = lax.broadcasted_iota(jnp.int32, (16,), 0)
    gbase = half * PAIRS_PER_W

    def body(i, carry):
        g = (gbase >> 4) + i
        gvec = jnp.broadcast_to(g, (16,))
        for v in range(3):
            w = jnp.broadcast_to(i * 48 + v * 16, (16,)) + lanes
            pair = w // 3
            comp = w - pair * 3
            rows = plsc.load_gather(idx_v, [pair])
            val = plsc.load_gather(tab_v, [rows, comp])
            ctr = plsc.load_gather(tab_v, [gvec, comp])
            out_v[pl.ds(i * 48 + v * 16, 16)] = val - ctr
        return carry

    lax.fori_loop(0, PAIRS_PER_W // K, body, 0)
    pltpu.sync_copy(out_v, out_hbm.at[wid])


@jax.jit
def kernel(pcd):
    B = pcd.shape[0]
    xt = jnp.transpose(pcd, (0, 2, 1))
    idx = pl.pallas_call(
        _knn_idx_body,
        grid=(B, G // G_TILE),
        in_specs=[
            pl.BlockSpec((1, G_TILE, 3), lambda b, j: (b, j, 0)),
            pl.BlockSpec((1, N, 3), lambda b, j: (b, 0, 0)),
            pl.BlockSpec((1, 3, N), lambda b, j: (b, 0, 0)),
        ],
        out_specs=pl.BlockSpec((1, G_TILE, K), lambda b, j: (b, j, 0)),
        out_shape=jax.ShapeDtypeStruct((B, G, K), jnp.int32),
    )(pcd, pcd, xt)

    idx2 = idx.reshape(NW, PAIRS_PER_W)

    mesh = plsc.VectorSubcoreMesh(core_axis_name="c", subcore_axis_name="s")
    sc_gather = functools.partial(
        pl.kernel, mesh=mesh,
        compiler_params=pltpu.CompilerParams(
            needs_layout_passes=False, use_tc_tiling_on_sc=False),
        out_type=jax.ShapeDtypeStruct((NW, WORDS_PER_W), jnp.float32),
        scratch_types=[
            pltpu.VMEM((N, 3), jnp.float32),
            pltpu.VMEM((PAIRS_PER_W,), jnp.int32),
            pltpu.VMEM((WORDS_PER_W,), jnp.float32),
        ],
    )(_sc_gather_body)
    out2 = sc_gather(pcd, idx2)

    neighborhood = out2.reshape(B, G, K, 3)
    return (neighborhood, pcd)

# --- scband reference (transcript-rebuilt; emitter-appended) ---
"""Pipeline reference for scband-group-90623809946178 (READ-ONLY COPY).

The authoritative reference and input builder live on the scoring server;
editing this copy changes nothing except your own understanding.
"""

import jax, jax.numpy as jnp
import numpy as np

NUM_GROUP = 2048
GROUP_SIZE = 16


def setup_inputs(seed: int = 0) -> dict:
    key = jax.random.key(seed)
    pcd = jax.random.normal(key, (16, 2048, 3), dtype=jnp.float32)
    return {"pcd": pcd}


def reference(pcd):
    B, N, _ = pcd.shape
    G = NUM_GROUP
    K = GROUP_SIZE
    xyz = pcd
    # num_points == num_group -> center = xyz (FPS branch skipped, matching torch control flow)
    center = xyz
    # KNN(k=K, transpose_mode=True): for each center (query), find K nearest points in xyz (ref)
    sq = jnp.sum(xyz * xyz, axis=-1)  # [B, N]
    dots = jnp.einsum('bgd,bnd->bgn', center, xyz)  # [B, G, N]
    dist = sq[:, :, None] + sq[:, None, :] - 2.0 * dots  # [B, G, N] squared distances
    _, idx = jax.lax.top_k(-dist, K)  # [B, G, K] nearest neighbor indices
    # flat gather exactly like the torch code
    idx_base = jnp.arange(B, dtype=idx.dtype)[:, None, None] * N
    idx_flat = (idx + idx_base).reshape(-1)
    neighborhood = xyz.reshape(B * N, 3)[idx_flat, :]
    neighborhood = neighborhood.reshape(B, G, K, 3)
    neighborhood = neighborhood - center[:, :, None, :]
    return (neighborhood, center)

if __name__ == "__main__":
    import jax
    _d = setup_inputs()
    print(jax.jit(kernel)(*tuple(_d.values())))

</pallas_src>

<mosaic_0001>
#map = affine_map<(d0, d1) -> (0, 0, 0)>
#map1 = affine_map<(d0, d1) -> (0, 0)>
module attributes {stable_mosaic.version = 14 : i64} {
  func.func @_sc_gather_body(%arg0: i32, %arg1: i32, %arg2: memref<16x2048x3xf32, #tpu.memory_space<hbm>>, %arg3: memref<32x16384xi32, #tpu.memory_space<hbm>>, %arg4: memref<32x49152xf32, #tpu.memory_space<hbm>>, %arg5: memref<2048x3xf32, #tpu.memory_space<vmem>>, %arg6: memref<16384xi32, #tpu.memory_space<vmem>>, %arg7: memref<49152xf32, #tpu.memory_space<vmem>>) attributes {dimension_semantics = [#tpu.dimension_semantics<core_parallel>, #tpu.dimension_semantics<subcore_parallel>], iteration_bounds = array<i64: 2, 16>, scalar_prefetch = 0 : i64, scratch_operands = 3 : i64, tpu.core_type = #tpu.core_type<sc_vector_subcore>, window_params = [{transform_indices = #map}, {transform_indices = #map1}, {transform_indices = #map1}]} {
    %mul3A = arith.constant 2 : i32
    %mul3A_0 = arith.muli %arg1, %mul3A : i32
    %add3A = arith.addi %mul3A_0, %arg0 : i32
    %shift_right_arithmetic3A = arith.constant 1 : i32
    %shift_right_arithmetic3A_1 = arith.shrsi %add3A, %shift_right_arithmetic3A : i32
    %and3A = arith.constant 1 : i32
    %and3A_2 = arith.andi %add3A, %and3A : i32
    "tpu.region"() ({
      %run_scoped3A = tpu.sem_alloc : memref<!tpu.dma_semaphore, #tpu.memory_space<semaphore_mem>>
      %dma_start3A = arith.constant 0 : i32
      %dma_start3A_10 = arith.constant 0 : i32
      %dma_start3A_11 = tpu.memref_slice %arg2[%shift_right_arithmetic3A_1, %dma_start3A, %dma_start3A_10] : memref<16x2048x3xf32, #tpu.memory_space<hbm>> -> memref<1x2048x3xf32, #tpu.memory_space<hbm>>
      %dma_start3A_12 = tpu.memref_squeeze %dma_start3A_11 : memref<1x2048x3xf32, #tpu.memory_space<hbm>> -> memref<2048x3xf32, #tpu.memory_space<hbm>>
      %dma_start3A_13 = arith.constant 0 : i32
      %dma_start3A_14 = arith.constant 0 : i32
      %dma_start3A_15 = tpu.memref_slice %arg2[%shift_right_arithmetic3A_1, %dma_start3A_13, %dma_start3A_14] : memref<16x2048x3xf32, #tpu.memory_space<hbm>> -> memref<1x2048x3xf32, #tpu.memory_space<hbm>>
      %dma_start3A_16 = tpu.memref_squeeze %dma_start3A_15 : memref<1x2048x3xf32, #tpu.memory_space<hbm>> -> memref<2048x3xf32, #tpu.memory_space<hbm>>
      tpu.enqueue_dma source(%dma_start3A_16 : memref<2048x3xf32, #tpu.memory_space<hbm>>) target(%arg5 : memref<2048x3xf32, #tpu.memory_space<vmem>>) target_semaphore(%run_scoped3A : memref<!tpu.dma_semaphore, #tpu.memory_space<semaphore_mem>>)
      %dma_wait3A = arith.constant 0 : i32
      %dma_wait3A_17 = arith.constant 0 : i32
      %dma_wait3A_18 = tpu.memref_slice %arg2[%shift_right_arithmetic3A_1, %dma_wait3A, %dma_wait3A_17] : memref<16x2048x3xf32, #tpu.memory_space<hbm>> -> memref<1x2048x3xf32, #tpu.memory_space<hbm>>
      %dma_wait3A_19 = tpu.memref_squeeze %dma_wait3A_18 : memref<1x2048x3xf32, #tpu.memory_space<hbm>> -> memref<2048x3xf32, #tpu.memory_space<hbm>>
      %dma_wait3A_20 = arith.constant 0 : i32
      %dma_wait3A_21 = arith.constant 0 : i32
      %dma_wait3A_22 = tpu.memref_slice %arg2[%shift_right_arithmetic3A_1, %dma_wait3A_20, %dma_wait3A_21] : memref<16x2048x3xf32, #tpu.memory_space<hbm>> -> memref<1x2048x3xf32, #tpu.memory_space<hbm>>
      %dma_wait3A_23 = tpu.memref_squeeze %dma_wait3A_22 : memref<1x2048x3xf32, #tpu.memory_space<hbm>> -> memref<2048x3xf32, #tpu.memory_space<hbm>>
      tpu.wait_dma2 semaphore(%run_scoped3A : memref<!tpu.dma_semaphore, #tpu.memory_space<semaphore_mem>>) src(%dma_wait3A_23 : memref<2048x3xf32, #tpu.memory_space<hbm>>) dst(%arg5 : memref<2048x3xf32, #tpu.memory_space<vmem>>)
      tpu.yield
    }) : () -> ()
    "tpu.region"() ({
      %run_scoped3A = tpu.sem_alloc : memref<!tpu.dma_semaphore, #tpu.memory_space<semaphore_mem>>
      %dma_start3A = arith.constant 0 : i32
      %dma_start3A_10 = tpu.memref_slice %arg3[%add3A, %dma_start3A] : memref<32x16384xi32, #tpu.memory_space<hbm>> -> memref<1x16384xi32, #tpu.memory_space<hbm>>
      %dma_start3A_11 = tpu.memref_squeeze %dma_start3A_10 : memref<1x16384xi32, #tpu.memory_space<hbm>> -> memref<16384xi32, #tpu.memory_space<hbm>>
      %dma_start3A_12 = arith.constant 0 : i32
      %dma_start3A_13 = tpu.memref_slice %arg3[%add3A, %dma_start3A_12] : memref<32x16384xi32, #tpu.memory_space<hbm>> -> memref<1x16384xi32, #tpu.memory_space<hbm>>
      %dma_start3A_14 = tpu.memref_squeeze %dma_start3A_13 : memref<1x16384xi32, #tpu.memory_space<hbm>> -> memref<16384xi32, #tpu.memory_space<hbm>>
      tpu.enqueue_dma source(%dma_start3A_14 : memref<16384xi32, #tpu.memory_space<hbm>>) target(%arg6 : memref<16384xi32, #tpu.memory_space<vmem>>) target_semaphore(%run_scoped3A : memref<!tpu.dma_semaphore, #tpu.memory_space<semaphore_mem>>)
      %dma_wait3A = arith.constant 0 : i32
      %dma_wait3A_15 = tpu.memref_slice %arg3[%add3A, %dma_wait3A] : memref<32x16384xi32, #tpu.memory_space<hbm>> -> memref<1x16384xi32, #tpu.memory_space<hbm>>
      %dma_wait3A_16 = tpu.memref_squeeze %dma_wait3A_15 : memref<1x16384xi32, #tpu.memory_space<hbm>> -> memref<16384xi32, #tpu.memory_space<hbm>>
      %dma_wait3A_17 = arith.constant 0 : i32
      %dma_wait3A_18 = tpu.memref_slice %arg3[%add3A, %dma_wait3A_17] : memref<32x16384xi32, #tpu.memory_space<hbm>> -> memref<1x16384xi32, #tpu.memory_space<hbm>>
      %dma_wait3A_19 = tpu.memref_squeeze %dma_wait3A_18 : memref<1x16384xi32, #tpu.memory_space<hbm>> -> memref<16384xi32, #tpu.memory_space<hbm>>
      tpu.wait_dma2 semaphore(%run_scoped3A : memref<!tpu.dma_semaphore, #tpu.memory_space<semaphore_mem>>) src(%dma_wait3A_19 : memref<16384xi32, #tpu.memory_space<hbm>>) dst(%arg6 : memref<16384xi32, #tpu.memory_space<vmem>>)
      tpu.yield
    }) : () -> ()
    %iota3A = tpu.iota {dimensions = array<i32: 0>} : vector<16xi32>
    %mul3A_3 = arith.constant 16384 : i32
    %mul3A_4 = arith.muli %and3A_2, %mul3A_3 : i32
    %scan3A = arith.constant 0 : i32
    %scan3A_5 = arith.constant 0 : i32
    %scan3A_6 = arith.constant 1024 : i32
    %scan3A_7 = arith.addi %scan3A_5, %scan3A_6 : i32
    %scan3A_8 = arith.constant 1 : i32
    scf.for %scan3A_10 = %scan3A_5 to %scan3A_7 step %scan3A_8  : i32 {
      %shift_right_arithmetic3A_11 = arith.constant 4 : i32
      %shift_right_arithmetic3A_12 = arith.shrsi %mul3A_4, %shift_right_arithmetic3A_11 : i32
      %add3A_13 = arith.addi %shift_right_arithmetic3A_12, %scan3A_10 : i32
      %broadcast_in_dim3A = vector.broadcast %add3A_13 : i32 to vector<16xi32>
      %mul3A_14 = arith.constant 48 : i32
      %mul3A_15 = arith.muli %scan3A_10, %mul3A_14 : i32
      %add3A_16 = arith.constant 0 : i32
      %add3A_17 = arith.addi %mul3A_15, %add3A_16 : i32
      %broadcast_in_dim3A_18 = vector.broadcast %add3A_17 : i32 to vector<16xi32>
      %add3A_19 = arith.addi %broadcast_in_dim3A_18, %iota3A : vector<16xi32>
      %jit3A = arith.constant 3 : i32
      %div3A = vector.broadcast %jit3A : i32 to vector<16xi32>
      %div3A_20 = arith.divsi %add3A_19, %div3A : vector<16xi32>
      %sign3A = arith.constant 0 : i32
      %sign3A_21 = vector.broadcast %sign3A : i32 to vector<16xi32>
      %sign3A_22 = arith.cmpi sgt, %add3A_19, %sign3A_21 : vector<16xi32>
      %sign3A_23 = arith.extui %sign3A_22 : vector<16xi1> to vector<16xi32>
      %sign3A_24 = arith.constant 0 : i32
      %sign3A_25 = vector.broadcast %sign3A_24 : i32 to vector<16xi32>
      %sign3A_26 = arith.cmpi slt, %add3A_19, %sign3A_25 : vector<16xi32>
      %sign3A_27 = arith.extui %sign3A_26 : vector<16xi1> to vector<16xi32>
      %sign3A_28 = arith.subi %sign3A_23, %sign3A_27 : vector<16xi32>
      %sign3A_29 = arith.constant 0 : i32
      %sign3A_30 = arith.cmpi sgt, %jit3A, %sign3A_29 : i32
      %sign3A_31 = arith.extui %sign3A_30 : i1 to i32
      %sign3A_32 = arith.constant 0 : i32
      %sign3A_33 = arith.cmpi slt, %jit3A, %sign3A_32 : i32
      %sign3A_34 = arith.extui %sign3A_33 : i1 to i32
      %sign3A_35 = arith.subi %sign3A_31, %sign3A_34 : i32
      %ne3A = vector.broadcast %sign3A_35 : i32 to vector<16xi32>
      %ne3A_36 = arith.cmpi ne, %sign3A_28, %ne3A : vector<16xi32>
      %rem3A = vector.broadcast %jit3A : i32 to vector<16xi32>
      %rem3A_37 = arith.remsi %add3A_19, %rem3A : vector<16xi32>
      %ne3A_38 = arith.constant 0 : i32
      %ne3A_39 = vector.broadcast %ne3A_38 : i32 to vector<16xi32>
      %ne3A_40 = arith.cmpi ne, %rem3A_37, %ne3A_39 : vector<16xi32>
      %and3A_41 = arith.andi %ne3A_36, %ne3A_40 : vector<16xi1>
      %sub3A = arith.constant 1 : i32
      %sub3A_42 = vector.broadcast %sub3A : i32 to vector<16xi32>
      %sub3A_43 = arith.subi %div3A_20, %sub3A_42 : vector<16xi32>
      %select_n3A = arith.select %and3A_41, %sub3A_43, %div3A_20 : vector<16xi1>, vector<16xi32>
      %mul3A_44 = arith.constant 3 : i32
      %mul3A_45 = vector.broadcast %mul3A_44 : i32 to vector<16xi32>
      %mul3A_46 = arith.muli %select_n3A, %mul3A_45 : vector<16xi32>
      %sub3A_47 = arith.subi %add3A_19, %mul3A_46 : vector<16xi32>
      %gather3A = tpu.vector_load_idx %arg6[%select_n3A] : memref<16384xi32, #tpu.memory_space<vmem>>[vector<16xi32>], vector<16xi32>,
      %gather3A_48 = tpu.vector_load_idx %arg5[%gather3A, %sub3A_47] : memref<2048x3xf32, #tpu.memory_space<vmem>>[vector<16xi32>, vector<16xi32>], vector<16xf32>,
      %gather3A_49 = tpu.vector_load_idx %arg5[%broadcast_in_dim3A, %sub3A_47] : memref<2048x3xf32, #tpu.memory_space<vmem>>[vector<16xi32>, vector<16xi32>], vector<16xf32>,
      %sub3A_50 = arith.subf %gather3A_48, %gather3A_49 : vector<16xf32>
      %mul3A_51 = arith.constant 48 : i32
      %mul3A_52 = arith.muli %scan3A_10, %mul3A_51 : i32
      %add3A_53 = arith.constant 0 : i32
      %add3A_54 = arith.addi %mul3A_52, %add3A_53 : i32
      %swap3A = arith.index_cast %add3A_54 : i32 to index
      %swap3A_55 = tpu.vector_load %arg7[%swap3A] {strides = array<i32>} : memref<49152xf32, #tpu.memory_space<vmem>>, vector<16xf32>,
      tpu.vector_store %arg7[%swap3A], %sub3A_50 {strides = array<i32>} : memref<49152xf32, #tpu.memory_space<vmem>>, vector<16xf32>,
      %mul3A_56 = arith.constant 48 : i32
      %mul3A_57 = arith.muli %scan3A_10, %mul3A_56 : i32
      %add3A_58 = arith.constant 16 : i32
      %add3A_59 = arith.addi %mul3A_57, %add3A_58 : i32
      %broadcast_in_dim3A_60 = vector.broadcast %add3A_59 : i32 to vector<16xi32>
      %add3A_61 = arith.addi %broadcast_in_dim3A_60, %iota3A : vector<16xi32>
      %jit3A_62 = arith.constant 3 : i32
      %div3A_63 = vector.broadcast %jit3A_62 : i32 to vector<16xi32>
      %div3A_64 = arith.divsi %add3A_61, %div3A_63 : vector<16xi32>
      %sign3A_65 = arith.constant 0 : i32
      %sign3A_66 = vector.broadcast %sign3A_65 : i32 to vector<16xi32>
      %sign3A_67 = arith.cmpi sgt, %add3A_61, %sign3A_66 : vector<16xi32>
      %sign3A_68 = arith.extui %sign3A_67 : vector<16xi1> to vector<16xi32>
      %sign3A_69 = arith.constant 0 : i32
      %sign3A_70 = vector.broadcast %sign3A_69 : i32 to vector<16xi32>
      %sign3A_71 = arith.cmpi slt, %add3A_61, %sign3A_70 : vector<16xi32>
      %sign3A_72 = arith.extui %sign3A_71 : vector<16xi1> to vector<16xi32>
      %sign3A_73 = arith.subi %sign3A_68, %sign3A_72 : vector<16xi32>
      %sign3A_74 = arith.constant 0 : i32
      %sign3A_75 = arith.cmpi sgt, %jit3A_62, %sign3A_74 : i32
      %sign3A_76 = arith.extui %sign3A_75 : i1 to i32
      %sign3A_77 = arith.constant 0 : i32
      %sign3A_78 = arith.cmpi slt, %jit3A_62, %sign3A_77 : i32
      %sign3A_79 = arith.extui %sign3A_78 : i1 to i32
      %sign3A_80 = arith.subi %sign3A_76, %sign3A_79 : i32
      %ne3A_81 = vector.broadcast %sign3A_80 : i32 to vector<16xi32>
      %ne3A_82 = arith.cmpi ne, %sign3A_73, %ne3A_81 : vector<16xi32>
      %rem3A_83 = vector.broadcast %jit3A_62 : i32 to vector<16xi32>
      %rem3A_84 = arith.remsi %add3A_61, %rem3A_83 : vector<16xi32>
      %ne3A_85 = arith.constant 0 : i32
      %ne3A_86 = vector.broadcast %ne3A_85 : i32 to vector<16xi32>
      %ne3A_87 = arith.cmpi ne, %rem3A_84, %ne3A_86 : vector<16xi32>
      %and3A_88 = arith.andi %ne3A_82, %ne3A_87 : vector<16xi1>
      %sub3A_89 = arith.constant 1 : i32
      %sub3A_90 = vector.broadcast %sub3A_89 : i32 to vector<16xi32>
      %sub3A_91 = arith.subi %div3A_64, %sub3A_90 : vector<16xi32>
      %select_n3A_92 = arith.select %and3A_88, %sub3A_91, %div3A_64 : vector<16xi1>, vector<16xi32>
      %mul3A_93 = arith.constant 3 : i32
      %mul3A_94 = vector.broadcast %mul3A_93 : i32 to vector<16xi32>
      %mul3A_95 = arith.muli %select_n3A_92, %mul3A_94 : vector<16xi32>
      %sub3A_96 = arith.subi %add3A_61, %mul3A_95 : vector<16xi32>
      %gather3A_97 = tpu.vector_load_idx %arg6[%select_n3A_92] : memref<16384xi32, #tpu.memory_space<vmem>>[vector<16xi32>], vector<16xi32>,
      %gather3A_98 = tpu.vector_load_idx %arg5[%gather3A_97, %sub3A_96] : memref<2048x3xf32, #tpu.memory_space<vmem>>[vector<16xi32>, vector<16xi32>], vector<16xf32>,
      %gather3A_99 = tpu.vector_load_idx %arg5[%broadcast_in_dim3A, %sub3A_96] : memref<2048x3xf32, #tpu.memory_space<vmem>>[vector<16xi32>, vector<16xi32>], vector<16xf32>,
      %sub3A_100 = arith.subf %gather3A_98, %gather3A_99 : vector<16xf32>
      %mul3A_101 = arith.constant 48 : i32
      %mul3A_102 = arith.muli %scan3A_10, %mul3A_101 : i32
      %add3A_103 = arith.constant 16 : i32
      %add3A_104 = arith.addi %mul3A_102, %add3A_103 : i32
      %swap3A_105 = arith.index_cast %add3A_104 : i32 to index
      %swap3A_106 = tpu.vector_load %arg7[%swap3A_105] {strides = array<i32>} : memref<49152xf32, #tpu.memory_space<vmem>>, vector<16xf32>,
      tpu.vector_store %arg7[%swap3A_105], %sub3A_100 {strides = array<i32>} : memref<49152xf32, #tpu.memory_space<vmem>>, vector<16xf32>,
      %mul3A_107 = arith.constant 48 : i32
      %mul3A_108 = arith.muli %scan3A_10, %mul3A_107 : i32
      %add3A_109 = arith.constant 32 : i32
      %add3A_110 = arith.addi %mul3A_108, %add3A_109 : i32
      %broadcast_in_dim3A_111 = vector.broadcast %add3A_110 : i32 to vector<16xi32>
      %add3A_112 = arith.addi %broadcast_in_dim3A_111, %iota3A : vector<16xi32>
      %jit3A_113 = arith.constant 3 : i32
      %div3A_114 = vector.broadcast %jit3A_113 : i32 to vector<16xi32>
      %div3A_115 = arith.divsi %add3A_112, %div3A_114 : vector<16xi32>
      %sign3A_116 = arith.constant 0 : i32
      %sign3A_117 = vector.broadcast %sign3A_116 : i32 to vector<16xi32>
      %sign3A_118 = arith.cmpi sgt, %add3A_112, %sign3A_117 : vector<16xi32>
      %sign3A_119 = arith.extui %sign3A_118 : vector<16xi1> to vector<16xi32>
      %sign3A_120 = arith.constant 0 : i32
      %sign3A_121 = vector.broadcast %sign3A_120 : i32 to vector<16xi32>
      %sign3A_122 = arith.cmpi slt, %add3A_112, %sign3A_121 : vector<16xi32>
      %sign3A_123 = arith.extui %sign3A_122 : vector<16xi1> to vector<16xi32>
      %sign3A_124 = arith.subi %sign3A_119, %sign3A_123 : vector<16xi32>
      %sign3A_125 = arith.constant 0 : i32
      %sign3A_126 = arith.cmpi sgt, %jit3A_113, %sign3A_125 : i32
      %sign3A_127 = arith.extui %sign3A_126 : i1 to i32
      %sign3A_128 = arith.constant 0 : i32
      %sign3A_129 = arith.cmpi slt, %jit3A_113, %sign3A_128 : i32
      %sign3A_130 = arith.extui %sign3A_129 : i1 to i32
      %sign3A_131 = arith.subi %sign3A_127, %sign3A_130 : i32
      %ne3A_132 = vector.broadcast %sign3A_131 : i32 to vector<16xi32>
      %ne3A_133 = arith.cmpi ne, %sign3A_124, %ne3A_132 : vector<16xi32>
      %rem3A_134 = vector.broadcast %jit3A_113 : i32 to vector<16xi32>
      %rem3A_135 = arith.remsi %add3A_112, %rem3A_134 : vector<16xi32>
      %ne3A_136 = arith.constant 0 : i32
      %ne3A_137 = vector.broadcast %ne3A_136 : i32 to vector<16xi32>
      %ne3A_138 = arith.cmpi ne, %rem3A_135, %ne3A_137 : vector<16xi32>
      %and3A_139 = arith.andi %ne3A_133, %ne3A_138 : vector<16xi1>
      %sub3A_140 = arith.constant 1 : i32
      %sub3A_141 = vector.broadcast %sub3A_140 : i32 to vector<16xi32>
      %sub3A_142 = arith.subi %div3A_115, %sub3A_141 : vector<16xi32>
      %select_n3A_143 = arith.select %and3A_139, %sub3A_142, %div3A_115 : vector<16xi1>, vector<16xi32>
      %mul3A_144 = arith.constant 3 : i32
      %mul3A_145 = vector.broadcast %mul3A_144 : i32 to vector<16xi32>
      %mul3A_146 = arith.muli %select_n3A_143, %mul3A_145 : vector<16xi32>
      %sub3A_147 = arith.subi %add3A_112, %mul3A_146 : vector<16xi32>
      %gather3A_148 = tpu.vector_load_idx %arg6[%select_n3A_143] : memref<16384xi32, #tpu.memory_space<vmem>>[vector<16xi32>], vector<16xi32>,
      %gather3A_149 = tpu.vector_load_idx %arg5[%gather3A_148, %sub3A_147] : memref<2048x3xf32, #tpu.memory_space<vmem>>[vector<16xi32>, vector<16xi32>], vector<16xf32>,
      %gather3A_150 = tpu.vector_load_idx %arg5[%broadcast_in_dim3A, %sub3A_147] : memref<2048x3xf32, #tpu.memory_space<vmem>>[vector<16xi32>, vector<16xi32>], vector<16xf32>,
      %sub3A_151 = arith.subf %gather3A_149, %gather3A_150 : vector<16xf32>
      %mul3A_152 = arith.constant 48 : i32
      %mul3A_153 = arith.muli %scan3A_10, %mul3A_152 : i32
      %add3A_154 = arith.constant 32 : i32
      %add3A_155 = arith.addi %mul3A_153, %add3A_154 : i32
      %swap3A_156 = arith.index_cast %add3A_155 : i32 to index
      %swap3A_157 = tpu.vector_load %arg7[%swap3A_156] {strides = array<i32>} : memref<49152xf32, #tpu.memory_space<vmem>>, vector<16xf32>,
      tpu.vector_store %arg7[%swap3A_156], %sub3A_151 {strides = array<i32>} : memref<49152xf32, #tpu.memory_space<vmem>>, vector<16xf32>,
    }
    %scan3A_9 = arith.constant 1024 : i32
    "tpu.region"() ({
      %run_scoped3A = tpu.sem_alloc : memref<!tpu.dma_semaphore, #tpu.memory_space<semaphore_mem>>
      %dma_start3A = arith.constant 0 : i32
      %dma_start3A_10 = tpu.memref_slice %arg4[%add3A, %dma_start3A] : memref<32x49152xf32, #tpu.memory_space<hbm>> -> memref<1x49152xf32, #tpu.memory_space<hbm>>
      %dma_start3A_11 = tpu.memref_squeeze %dma_start3A_10 : memref<1x49152xf32, #tpu.memory_space<hbm>> -> memref<49152xf32, #tpu.memory_space<hbm>>
      %dma_start3A_12 = arith.constant 0 : i32
      %dma_start3A_13 = tpu.memref_slice %arg4[%add3A, %dma_start3A_12] : memref<32x49152xf32, #tpu.memory_space<hbm>> -> memref<1x49152xf32, #tpu.memory_space<hbm>>
      %dma_start3A_14 = tpu.memref_squeeze %dma_start3A_13 : memref<1x49152xf32, #tpu.memory_space<hbm>> -> memref<49152xf32, #tpu.memory_space<hbm>>
      tpu.enqueue_dma source(%arg7 : memref<49152xf32, #tpu.memory_space<vmem>>) target(%dma_start3A_14 : memref<49152xf32, #tpu.memory_space<hbm>>) target_semaphore(%run_scoped3A : memref<!tpu.dma_semaphore, #tpu.memory_space<semaphore_mem>>)
      %dma_wait3A = arith.constant 0 : i32
      %dma_wait3A_15 = tpu.memref_slice %arg4[%add3A, %dma_wait3A] : memref<32x49152xf32, #tpu.memory_space<hbm>> -> memref<1x49152xf32, #tpu.memory_space<hbm>>
      %dma_wait3A_16 = tpu.memref_squeeze %dma_wait3A_15 : memref<1x49152xf32, #tpu.memory_space<hbm>> -> memref<49152xf32, #tpu.memory_space<hbm>>
      %dma_wait3A_17 = arith.constant 0 : i32
      %dma_wait3A_18 = tpu.memref_slice %arg4[%add3A, %dma_wait3A_17] : memref<32x49152xf32, #tpu.memory_space<hbm>> -> memref<1x49152xf32, #tpu.memory_space<hbm>>
      %dma_wait3A_19 = tpu.memref_squeeze %dma_wait3A_18 : memref<1x49152xf32, #tpu.memory_space<hbm>> -> memref<49152xf32, #tpu.memory_space<hbm>>
      tpu.wait_dma2 semaphore(%run_scoped3A : memref<!tpu.dma_semaphore, #tpu.memory_space<semaphore_mem>>) src(%arg7 : memref<49152xf32, #tpu.memory_space<vmem>>) dst(%dma_wait3A_19 : memref<49152xf32, #tpu.memory_space<hbm>>)
      tpu.yield
    }) : () -> ()
    return
  }
}

module attributes {stable_mosaic.version = 14 : i64} {
  func.func @_knn_idx_body(%arg0: i32, %arg1: i32, %arg2: memref<1x512x3xf32, #tpu.memory_space<vmem>>, %arg3: memref<1x2048x3xf32, #tpu.memory_space<vmem>>, %arg4: memref<1x3x2048xf32, #tpu.memory_space<vmem>>, %arg5: memref<1x512x16xi32, #tpu.memory_space<vmem>>) attributes {dimension_semantics = [#tpu.dimension_semantics<arbitrary>, #tpu.dimension_semantics<arbitrary>], iteration_bounds = array<i64: 16, 4>, scalar_prefetch = 0 : i64, scratch_operands = 0 : i64, tpu.core_type = #tpu.core_type<tc>, window_params = [{transform_indices = @transform_0, window_bounds = array<i64: 1, 512, 3>}, {transform_indices = @transform_1, window_bounds = array<i64: 1, 2048, 3>}, {transform_indices = @transform_2, window_bounds = array<i64: 1, 3, 2048>}, {transform_indices = @transform_3, window_bounds = array<i64: 1, 512, 16>}]} {
    %get3A = arith.constant 0 : index
    %get3A_0 = arith.constant 0 : index
    %get3A_1 = arith.constant 0 : index
    %get3A_2 = vector.load %arg2[%get3A, %get3A_0, %get3A_1] : memref<1x512x3xf32, #tpu.memory_space<vmem>>, vector<1x512x3xf32>
    %get3A_3 = vector.shape_cast %get3A_2 : vector<1x512x3xf32> to vector<512x3xf32>
    %get3A_4 = arith.constant 0 : index
    %get3A_5 = arith.constant 0 : index
    %get3A_6 = arith.constant 0 : index
    %get3A_7 = vector.load %arg3[%get3A_4, %get3A_5, %get3A_6] : memref<1x2048x3xf32, #tpu.memory_space<vmem>>, vector<1x2048x3xf32>
    %get3A_8 = vector.shape_cast %get3A_7 : vector<1x2048x3xf32> to vector<2048x3xf32>
    %get3A_9 = arith.constant 0 : index
    %get3A_10 = arith.constant 0 : index
    %get3A_11 = arith.constant 0 : index
    %get3A_12 = vector.load %arg4[%get3A_9, %get3A_10, %get3A_11] : memref<1x3x2048xf32, #tpu.memory_space<vmem>>, vector<1x3x2048xf32>
    %get3A_13 = vector.shape_cast %get3A_12 : vector<1x3x2048xf32> to vector<3x2048xf32>
    %mul3A = arith.mulf %get3A_13, %get3A_13 : vector<3x2048xf32>
    %reduce_sum3A = arith.constant dense<0.000000e+00> : vector<2048xf32>
    %reduce_sum3A_14 = vector.multi_reduction <add>, %mul3A, %reduce_sum3A [0] : vector<3x2048xf32> to vector<2048xf32>
    %broadcast_in_dim3A = vector.shape_cast %reduce_sum3A_14 : vector<2048xf32> to vector<1x2048xf32>
    %mul3A_15 = arith.mulf %get3A_3, %get3A_3 : vector<512x3xf32>
    %reduce_sum3A_16 = arith.constant dense<0.000000e+00> : vector<512xf32>
    %reduce_sum3A_17 = vector.multi_reduction <add>, %mul3A_15, %reduce_sum3A_16 [1] : vector<512x3xf32> to vector<512xf32>
    %broadcast_in_dim3A_18 = vector.shape_cast %reduce_sum3A_17 : vector<512xf32> to vector<512x1xf32>
    %dot_general3A = arith.constant dense<0.000000e+00> : vector<512x2048xf32>
    %dot_general3A_19 = tpu.matmul %get3A_3, %get3A_8, %dot_general3A {dimension_numbers = #tpu.dot_dimension_numbers<[1], [1], [0], [0], [0, 0, 1, 0], [], []>, transpose_lhs_hint = false} : vector<512x3xf32>, vector<2048x3xf32>, vector<512x2048xf32> -> vector<512x2048xf32>
    %add3A = vector.broadcast %broadcast_in_dim3A_18 : vector<512x1xf32> to vector<512x2048xf32>
    %add3A_20 = vector.broadcast %broadcast_in_dim3A : vector<1x2048xf32> to vector<512x2048xf32>
    %add3A_21 = arith.addf %add3A, %add3A_20 : vector<512x2048xf32>
    %mul3A_22 = arith.constant 2.000000e+00 : f32
    %mul3A_23 = vector.broadcast %mul3A_22 : f32 to vector<512x2048xf32>
    %mul3A_24 = arith.mulf %mul3A_23, %dot_general3A_19 : vector<512x2048xf32>
    %sub3A = arith.subf %add3A_21, %mul3A_24 : vector<512x2048xf32>
    %iota3A = tpu.iota {dimensions = array<i32: 1>} : vector<512x2048xi32>
    %reduce_min3A = arith.constant dense<0x7F800000> : vector<512xf32>
    %reduce_min3A_25 = vector.multi_reduction <minimumf>, %sub3A, %reduce_min3A [1] : vector<512x2048xf32> to vector<512xf32>
    %broadcast_in_dim3A_26 = vector.shape_cast %reduce_min3A_25 : vector<512xf32> to vector<512x1xf32>
    %eq3A = vector.broadcast %broadcast_in_dim3A_26 : vector<512x1xf32> to vector<512x2048xf32>
    %eq3A_27 = arith.cmpf oeq, %sub3A, %eq3A : vector<512x2048xf32>
    %jit3A = arith.constant 2048 : i32
    %broadcast_in_dim3A_28 = vector.broadcast %jit3A : i32 to vector<512x2048xi32>
    %select_n3A = arith.select %eq3A_27, %iota3A, %broadcast_in_dim3A_28 : vector<512x2048xi1>, vector<512x2048xi32>
    %reduce_min3A_29 = arith.constant dense<2147483647> : vector<512xi32>
    %reduce_min3A_30 = vector.multi_reduction <minsi>, %select_n3A, %reduce_min3A_29 [1] : vector<512x2048xi32> to vector<512xi32>
    %broadcast_in_dim3A_31 = vector.shape_cast %reduce_min3A_30 : vector<512xi32> to vector<512x1xi32>
    %eq3A_32 = vector.broadcast %broadcast_in_dim3A_31 : vector<512x1xi32> to vector<512x2048xi32>
    %eq3A_33 = arith.cmpi eq, %iota3A, %eq3A_32 : vector<512x2048xi32>
    %jit3A_34 = arith.constant 0x7F800000 : f32
    %broadcast_in_dim3A_35 = vector.broadcast %jit3A_34 : f32 to vector<512x2048xf32>
    %select_n3A_36 = arith.select %eq3A_33, %broadcast_in_dim3A_35, %sub3A : vector<512x2048xi1>, vector<512x2048xf32>
    %reduce_min3A_37 = arith.constant dense<0x7F800000> : vector<512xf32>
    %reduce_min3A_38 = vector.multi_reduction <minimumf>, %select_n3A_36, %reduce_min3A_37 [1] : vector<512x2048xf32> to vector<512xf32>
    %broadcast_in_dim3A_39 = vector.shape_cast %reduce_min3A_38 : vector<512xf32> to vector<512x1xf32>
    %eq3A_40 = vector.broadcast %broadcast_in_dim3A_39 : vector<512x1xf32> to vector<512x2048xf32>
    %eq3A_41 = arith.cmpf oeq, %select_n3A_36, %eq3A_40 : vector<512x2048xf32>
    %jit3A_42 = arith.constant 2048 : i32
    %broadcast_in_dim3A_43 = vector.broadcast %jit3A_42 : i32 to vector<512x2048xi32>
    %select_n3A_44 = arith.select %eq3A_41, %iota3A, %broadcast_in_dim3A_43 : vector<512x2048xi1>, vector<512x2048xi32>
    %reduce_min3A_45 = arith.constant dense<2147483647> : vector<512xi32>
    %reduce_min3A_46 = vector.multi_reduction <minsi>, %select_n3A_44, %reduce_min3A_45 [1] : vector<512x2048xi32> to vector<512xi32>
    %broadcast_in_dim3A_47 = vector.shape_cast %reduce_min3A_46 : vector<512xi32> to vector<512x1xi32>
    %eq3A_48 = vector.broadcast %broadcast_in_dim3A_47 : vector<512x1xi32> to vector<512x2048xi32>
    %eq3A_49 = arith.cmpi eq, %iota3A, %eq3A_48 : vector<512x2048xi32>
    %jit3A_50 = arith.constant 0x7F800000 : f32
    %broadcast_in_dim3A_51 = vector.broadcast %jit3A_50 : f32 to vector<512x2048xf32>
    %select_n3A_52 = arith.select %eq3A_49, %broadcast_in_dim3A_51, %select_n3A_36 : vector<512x2048xi1>, vector<512x2048xf32>
    %reduce_min3A_53 = arith.constant dense<0x7F800000> : vector<512xf32>
    %reduce_min3A_54 = vector.multi_reduction <minimumf>, %select_n3A_52, %reduce_min3A_53 [1] : vector<512x2048xf32> to vector<512xf32>
    %broadcast_in_dim3A_55 = vector.shape_cast %reduce_min3A_54 : vector<512xf32> to vector<512x1xf32>
    %eq3A_56 = vector.broadcast %broadcast_in_dim3A_55 : vector<512x1xf32> to vector<512x2048xf32>
    %eq3A_57 = arith.cmpf oeq, %select_n3A_52, %eq3A_56 : vector<512x2048xf32>
    %jit3A_58 = arith.constant 2048 : i32
    %broadcast_in_dim3A_59 = vector.broadcast %jit3A_58 : i32 to vector<512x2048xi32>
    %select_n3A_60 = arith.select %eq3A_57, %iota3A, %broadcast_in_dim3A_59 : vector<512x2048xi1>, vector<512x2048xi32>
    %reduce_min3A_61 = arith.constant dense<2147483647> : vector<512xi32>
    %reduce_min3A_62 = vector.multi_reduction <minsi>, %select_n3A_60, %reduce_min3A_61 [1] : vector<512x2048xi32> to vector<512xi32>
    %broadcast_in_dim3A_63 = vector.shape_cast %reduce_min3A_62 : vector<512xi32> to vector<512x1xi32>
    %eq3A_64 = vector.broadcast %broadcast_in_dim3A_63 : vector<512x1xi32> to vector<512x2048xi32>
    %eq3A_65 = arith.cmpi eq, %iota3A, %eq3A_64 : vector<512x2048xi32>
    %jit3A_66 = arith.constant 0x7F800000 : f32
    %broadcast_in_dim3A_67 = vector.broadcast %jit3A_66 : f32 to vector<512x2048xf32>
    %select_n3A_68 = arith.select %eq3A_65, %broadcast_in_dim3A_67, %select_n3A_52 : vector<512x2048xi1>, vector<512x2048xf32>
    %reduce_min3A_69 = arith.constant dense<0x7F800000> : vector<512xf32>
    %reduce_min3A_70 = vector.multi_reduction <minimumf>, %select_n3A_68, %reduce_min3A_69 [1] : vector<512x2048xf32> to vector<512xf32>
    %broadcast_in_dim3A_71 = vector.shape_cast %reduce_min3A_70 : vector<512xf32> to vector<512x1xf32>
    %eq3A_72 = vector.broadcast %broadcast_in_dim3A_71 : vector<512x1xf32> to vector<512x2048xf32>
    %eq3A_73 = arith.cmpf oeq, %select_n3A_68, %eq3A_72 : vector<512x2048xf32>
    %jit3A_74 = arith.constant 2048 : i32
    %broadcast_in_dim3A_75 = vector.broadcast %jit3A_74 : i32 to vector<512x2048xi32>
    %select_n3A_76 = arith.select %eq3A_73, %iota3A, %broadcast_in_dim3A_75 : vector<512x2048xi1>, vector<512x2048xi32>
    %reduce_min3A_77 = arith.constant dense<2147483647> : vector<512xi32>
    %reduce_min3A_78 = vector.multi_reduction <minsi>, %select_n3A_76, %reduce_min3A_77 [1] : vector<512x2048xi32> to vector<512xi32>
    %broadcast_in_dim3A_79 = vector.shape_cast %reduce_min3A_78 : vector<512xi32> to vector<512x1xi32>
    %eq3A_80 = vector.broadcast %broadcast_in_dim3A_79 : vector<512x1xi32> to vector<512x2048xi32>
    %eq3A_81 = arith.cmpi eq, %iota3A, %eq3A_80 : vector<512x2048xi32>
    %jit3A_82 = arith.constant 0x7F800000 : f32
    %broadcast_in_dim3A_83 = vector.broadcast %jit3A_82 : f32 to vector<512x2048xf32>
    %select_n3A_84 = arith.select %eq3A_81, %broadcast_in_dim3A_83, %select_n3A_68 : vector<512x2048xi1>, vector<512x2048xf32>
    %reduce_min3A_85 = arith.constant dense<0x7F800000> : vector<512xf32>
    %reduce_min3A_86 = vector.multi_reduction <minimumf>, %select_n3A_84, %reduce_min3A_85 [1] : vector<512x2048xf32> to vector<512xf32>
    %broadcast_in_dim3A_87 = vector.shape_cast %reduce_min3A_86 : vector<512xf32> to vector<512x1xf32>
    %eq3A_88 = vector.broadcast %broadcast_in_dim3A_87 : vector<512x1xf32> to vector<512x2048xf32>
    %eq3A_89 = arith.cmpf oeq, %select_n3A_84, %eq3A_88 : vector<512x2048xf32>
    %jit3A_90 = arith.constant 2048 : i32
    %broadcast_in_dim3A_91 = vector.broadcast %jit3A_90 : i32 to vector<512x2048xi32>
    %select_n3A_92 = arith.select %eq3A_89, %iota3A, %broadcast_in_dim3A_91 : vector<512x2048xi1>, vector<512x2048xi32>
    %reduce_min3A_93 = arith.constant dense<2147483647> : vector<512xi32>
    %reduce_min3A_94 = vector.multi_reduction <minsi>, %select_n3A_92, %reduce_min3A_93 [1] : vector<512x2048xi32> to vector<512xi32>
    %broadcast_in_dim3A_95 = vector.shape_cast %reduce_min3A_94 : vector<512xi32> to vector<512x1xi32>
    %eq3A_96 = vector.broadcast %broadcast_in_dim3A_95 : vector<512x1xi32> to vector<512x2048xi32>
    %eq3A_97 = arith.cmpi eq, %iota3A, %eq3A_96 : vector<512x2048xi32>
    %jit3A_98 = arith.constant 0x7F800000 : f32
    %broadcast_in_dim3A_99 = vector.broadcast %jit3A_98 : f32 to vector<512x2048xf32>
    %select_n3A_100 = arith.select %eq3A_97, %broadcast_in_dim3A_99, %select_n3A_84 : vector<512x2048xi1>, vector<512x2048xf32>
    %reduce_min3A_101 = arith.constant dense<0x7F800000> : vector<512xf32>
    %reduce_min3A_102 = vector.multi_reduction <minimumf>, %select_n3A_100, %reduce_min3A_101 [1] : vector<512x2048xf32> to vector<512xf32>
    %broadcast_in_dim3A_103 = vector.shape_cast %reduce_min3A_102 : vector<512xf32> to vector<512x1xf32>
    %eq3A_104 = vector.broadcast %broadcast_in_dim3A_103 : vector<512x1xf32> to vector<512x2048xf32>
    %eq3A_105 = arith.cmpf oeq, %select_n3A_100, %eq3A_104 : vector<512x2048xf32>
    %jit3A_106 = arith.constant 2048 : i32
    %broadcast_in_dim3A_107 = vector.broadcast %jit3A_106 : i32 to vector<512x2048xi32>
    %select_n3A_108 = arith.select %eq3A_105, %iota3A, %broadcast_in_dim3A_107 : vector<512x2048xi1>, vector<512x2048xi32>
    %reduce_min3A_109 = arith.constant dense<2147483647> : vector<512xi32>
    %reduce_min3A_110 = vector.multi_reduction <minsi>, %select_n3A_108, %reduce_min3A_109 [1] : vector<512x2048xi32> to vector<512xi32>
    %broadcast_in_dim3A_111 = vector.shape_cast %reduce_min3A_110 : vector<512xi32> to vector<512x1xi32>
    %eq3A_112 = vector.broadcast %broadcast_in_dim3A_111 : vector<512x1xi32> to vector<512x2048xi32>
    %eq3A_113 = arith.cmpi eq, %iota3A, %eq3A_112 : vector<512x2048xi32>
    %jit3A_114 = arith.constant 0x7F800000 : f32
    %broadcast_in_dim3A_115 = vector.broadcast %jit3A_114 : f32 to vector<512x2048xf32>
    %select_n3A_116 = arith.select %eq3A_113, %broadcast_in_dim3A_115, %select_n3A_100 : vector<512x2048xi1>, vector<512x2048xf32>
    %reduce_min3A_117 = arith.constant dense<0x7F800000> : vector<512xf32>
    %reduce_min3A_118 = vector.multi_reduction <minimumf>, %select_n3A_116, %reduce_min3A_117 [1] : vector<512x2048xf32> to vector<512xf32>
    %broadcast_in_dim3A_119 = vector.shape_cast %reduce_min3A_118 : vector<512xf32> to vector<512x1xf32>
    %eq3A_120 = vector.broadcast %broadcast_in_dim3A_119 : vector<512x1xf32> to vector<512x2048xf32>
    %eq3A_121 = arith.cmpf oeq, %select_n3A_116, %eq3A_120 : vector<512x2048xf32>
    %jit3A_122 = arith.constant 2048 : i32
    %broadcast_in_dim3A_123 = vector.broadcast %jit3A_122 : i32 to vector<512x2048xi32>
    %select_n3A_124 = arith.select %eq3A_121, %iota3A, %broadcast_in_dim3A_123 : vector<512x2048xi1>, vector<512x2048xi32>
    %reduce_min3A_125 = arith.constant dense<2147483647> : vector<512xi32>
    %reduce_min3A_126 = vector.multi_reduction <minsi>, %select_n3A_124, %reduce_min3A_125 [1] : vector<512x2048xi32> to vector<512xi32>
    %broadcast_in_dim3A_127 = vector.shape_cast %reduce_min3A_126 : vector<512xi32> to vector<512x1xi32>
    %eq3A_128 = vector.broadcast %broadcast_in_dim3A_127 : vector<512x1xi32> to vector<512x2048xi32>
    %eq3A_129 = arith.cmpi eq, %iota3A, %eq3A_128 : vector<512x2048xi32>
    %jit3A_130 = arith.constant 0x7F800000 : f32
    %broadcast_in_dim3A_131 = vector.broadcast %jit3A_130 : f32 to vector<512x2048xf32>
    %select_n3A_132 = arith.select %eq3A_129, %broadcast_in_dim3A_131, %select_n3A_116 : vector<512x2048xi1>, vector<512x2048xf32>
    %reduce_min3A_133 = arith.constant dense<0x7F800000> : vector<512xf32>
    %reduce_min3A_134 = vector.multi_reduction <minimumf>, %select_n3A_132, %reduce_min3A_133 [1] : vector<512x2048xf32> to vector<512xf32>
    %broadcast_in_dim3A_135 = vector.shape_cast %reduce_min3A_134 : vector<512xf32> to vector<512x1xf32>
    %eq3A_136 = vector.broadcast %broadcast_in_dim3A_135 : vector<512x1xf32> to vector<512x2048xf32>
    %eq3A_137 = arith.cmpf oeq, %select_n3A_132, %eq3A_136 : vector<512x2048xf32>
    %jit3A_138 = arith.constant 2048 : i32
    %broadcast_in_dim3A_139 = vector.broadcast %jit3A_138 : i32 to vector<512x2048xi32>
    %select_n3A_140 = arith.select %eq3A_137, %iota3A, %broadcast_in_dim3A_139 : vector<512x2048xi1>, vector<512x2048xi32>
    %reduce_min3A_141 = arith.constant dense<2147483647> : vector<512xi32>
    %reduce_min3A_142 = vector.multi_reduction <minsi>, %select_n3A_140, %reduce_min3A_141 [1] : vector<512x2048xi32> to vector<512xi32>
    %broadcast_in_dim3A_143 = vector.shape_cast %reduce_min3A_142 : vector<512xi32> to vector<512x1xi32>
    %eq3A_144 = vector.broadcast %broadcast_in_dim3A_143 : vector<512x1xi32> to vector<512x2048xi32>
    %eq3A_145 = arith.cmpi eq, %iota3A, %eq3A_144 : vector<512x2048xi32>
    %jit3A_146 = arith.constant 0x7F800000 : f32
    %broadcast_in_dim3A_147 = vector.broadcast %jit3A_146 : f32 to vector<512x2048xf32>
    %select_n3A_148 = arith.select %eq3A_145, %broadcast_in_dim3A_147, %select_n3A_132 : vector<512x2048xi1>, vector<512x2048xf32>
    %reduce_min3A_149 = arith.constant dense<0x7F800000> : vector<512xf32>
    %reduce_min3A_150 = vector.multi_reduction <minimumf>, %select_n3A_148, %reduce_min3A_149 [1] : vector<512x2048xf32> to vector<512xf32>
    %broadcast_in_dim3A_151 = vector.shape_cast %reduce_min3A_150 : vector<512xf32> to vector<512x1xf32>
    %eq3A_152 = vector.broadcast %broadcast_in_dim3A_151 : vector<512x1xf32> to vector<512x2048xf32>
    %eq3A_153 = arith.cmpf oeq, %select_n3A_148, %eq3A_152 : vector<512x2048xf32>
    %jit3A_154 = arith.constant 2048 : i32
    %broadcast_in_dim3A_155 = vector.broadcast %jit3A_154 : i32 to vector<512x2048xi32>
    %select_n3A_156 = arith.select %eq3A_153, %iota3A, %broadcast_in_dim3A_155 : vector<512x2048xi1>, vector<512x2048xi32>
    %reduce_min3A_157 = arith.constant dense<2147483647> : vector<512xi32>
    %reduce_min3A_158 = vector.multi_reduction <minsi>, %select_n3A_156, %reduce_min3A_157 [1] : vector<512x2048xi32> to vector<512xi32>
    %broadcast_in_dim3A_159 = vector.shape_cast %reduce_min3A_158 : vector<512xi32> to vector<512x1xi32>
    %eq3A_160 = vector.broadcast %broadcast_in_dim3A_159 : vector<512x1xi32> to vector<512x2048xi32>
    %eq3A_161 = arith.cmpi eq, %iota3A, %eq3A_160 : vector<512x2048xi32>
    %jit3A_162 = arith.constant 0x7F800000 : f32
    %broadcast_in_dim3A_163 = vector.broadcast %jit3A_162 : f32 to vector<512x2048xf32>
    %select_n3A_164 = arith.select %eq3A_161, %broadcast_in_dim3A_163, %select_n3A_148 : vector<512x2048xi1>, vector<512x2048xf32>
    %reduce_min3A_165 = arith.constant dense<0x7F800000> : vector<512xf32>
    %reduce_min3A_166 = vector.multi_reduction <minimumf>, %select_n3A_164, %reduce_min3A_165 [1] : vector<512x2048xf32> to vector<512xf32>
    %broadcast_in_dim3A_167 = vector.shape_cast %reduce_min3A_166 : vector<512xf32> to vector<512x1xf32>
    %eq3A_168 = vector.broadcast %broadcast_in_dim3A_167 : vector<512x1xf32> to vector<512x2048xf32>
    %eq3A_169 = arith.cmpf oeq, %select_n3A_164, %eq3A_168 : vector<512x2048xf32>
    %jit3A_170 = arith.constant 2048 : i32
    %broadcast_in_dim3A_171 = vector.broadcast %jit3A_170 : i32 to vector<512x2048xi32>
    %select_n3A_172 = arith.select %eq3A_169, %iota3A, %broadcast_in_dim3A_171 : vector<512x2048xi1>, vector<512x2048xi32>
    %reduce_min3A_173 = arith.constant dense<2147483647> : vector<512xi32>
    %reduce_min3A_174 = vector.multi_reduction <minsi>, %select_n3A_172, %reduce_min3A_173 [1] : vector<512x2048xi32> to vector<512xi32>
    %broadcast_in_dim3A_175 = vector.shape_cast %reduce_min3A_174 : vector<512xi32> to vector<512x1xi32>
    %eq3A_176 = vector.broadcast %broadcast_in_dim3A_175 : vector<512x1xi32> to vector<512x2048xi32>
    %eq3A_177 = arith.cmpi eq, %iota3A, %eq3A_176 : vector<512x2048xi32>
    %jit3A_178 = arith.constant 0x7F800000 : f32
    %broadcast_in_dim3A_179 = vector.broadcast %jit3A_178 : f32 to vector<512x2048xf32>
    %select_n3A_180 = arith.select %eq3A_177, %broadcast_in_dim3A_179, %select_n3A_164 : vector<512x2048xi1>, vector<512x2048xf32>
    %reduce_min3A_181 = arith.constant dense<0x7F800000> : vector<512xf32>
    %reduce_min3A_182 = vector.multi_reduction <minimumf>, %select_n3A_180, %reduce_min3A_181 [1] : vector<512x2048xf32> to vector<512xf32>
    %broadcast_in_dim3A_183 = vector.shape_cast %reduce_min3A_182 : vector<512xf32> to vector<512x1xf32>
    %eq3A_184 = vector.broadcast %broadcast_in_dim3A_183 : vector<512x1xf32> to vector<512x2048xf32>
    %eq3A_185 = arith.cmpf oeq, %select_n3A_180, %eq3A_184 : vector<512x2048xf32>
    %jit3A_186 = arith.constant 2048 : i32
    %broadcast_in_dim3A_187 = vector.broadcast %jit3A_186 : i32 to vector<512x2048xi32>
    %select_n3A_188 = arith.select %eq3A_185, %iota3A, %broadcast_in_dim3A_187 : vector<512x2048xi1>, vector<512x2048xi32>
    %reduce_min3A_189 = arith.constant dense<2147483647> : vector<512xi32>
    %reduce_min3A_190 = vector.multi_reduction <minsi>, %select_n3A_188, %reduce_min3A_189 [1] : vector<512x2048xi32> to vector<512xi32>
    %broadcast_in_dim3A_191 = vector.shape_cast %reduce_min3A_190 : vector<512xi32> to vector<512x1xi32>
    %eq3A_192 = vector.broadcast %broadcast_in_dim3A_191 : vector<512x1xi32> to vector<512x2048xi32>
    %eq3A_193 = arith.cmpi eq, %iota3A, %eq3A_192 : vector<512x2048xi32>
    %jit3A_194 = arith.constant 0x7F800000 : f32
    %broadcast_in_dim3A_195 = vector.broadcast %jit3A_194 : f32 to vector<512x2048xf32>
    %select_n3A_196 = arith.select %eq3A_193, %broadcast_in_dim3A_195, %select_n3A_180 : vector<512x2048xi1>, vector<512x2048xf32>
    %reduce_min3A_197 = arith.constant dense<0x7F800000> : vector<512xf32>
    %reduce_min3A_198 = vector.multi_reduction <minimumf>, %select_n3A_196, %reduce_min3A_197 [1] : vector<512x2048xf32> to vector<512xf32>
    %broadcast_in_dim3A_199 = vector.shape_cast %reduce_min3A_198 : vector<512xf32> to vector<512x1xf32>
    %eq3A_200 = vector.broadcast %broadcast_in_dim3A_199 : vector<512x1xf32> to vector<512x2048xf32>
    %eq3A_201 = arith.cmpf oeq, %select_n3A_196, %eq3A_200 : vector<512x2048xf32>
    %jit3A_202 = arith.constant 2048 : i32
    %broadcast_in_dim3A_203 = vector.broadcast %jit3A_202 : i32 to vector<512x2048xi32>
    %select_n3A_204 = arith.select %eq3A_201, %iota3A, %broadcast_in_dim3A_203 : vector<512x2048xi1>, vector<512x2048xi32>
    %reduce_min3A_205 = arith.constant dense<2147483647> : vector<512xi32>
    %reduce_min3A_206 = vector.multi_reduction <minsi>, %select_n3A_204, %reduce_min3A_205 [1] : vector<512x2048xi32> to vector<512xi32>
    %broadcast_in_dim3A_207 = vector.shape_cast %reduce_min3A_206 : vector<512xi32> to vector<512x1xi32>
    %eq3A_208 = vector.broadcast %broadcast_in_dim3A_207 : vector<512x1xi32> to vector<512x2048xi32>
    %eq3A_209 = arith.cmpi eq, %iota3A, %eq3A_208 : vector<512x2048xi32>
    %jit3A_210 = arith.constant 0x7F800000 : f32
    %broadcast_in_dim3A_211 = vector.broadcast %jit3A_210 : f32 to vector<512x2048xf32>
    %select_n3A_212 = arith.select %eq3A_209, %broadcast_in_dim3A_211, %select_n3A_196 : vector<512x2048xi1>, vector<512x2048xf32>
    %reduce_min3A_213 = arith.constant dense<0x7F800000> : vector<512xf32>
    %reduce_min3A_214 = vector.multi_reduction <minimumf>, %select_n3A_212, %reduce_min3A_213 [1] : vector<512x2048xf32> to vector<512xf32>
    %broadcast_in_dim3A_215 = vector.shape_cast %reduce_min3A_214 : vector<512xf32> to vector<512x1xf32>
    %eq3A_216 = vector.broadcast %broadcast_in_dim3A_215 : vector<512x1xf32> to vector<512x2048xf32>
    %eq3A_217 = arith.cmpf oeq, %select_n3A_212, %eq3A_216 : vector<512x2048xf32>
    %jit3A_218 = arith.constant 2048 : i32
    %broadcast_in_dim3A_219 = vector.broadcast %jit3A_218 : i32 to vector<512x2048xi32>
    %select_n3A_220 = arith.select %eq3A_217, %iota3A, %broadcast_in_dim3A_219 : vector<512x2048xi1>, vector<512x2048xi32>
    %reduce_min3A_221 = arith.constant dense<2147483647> : vector<512xi32>
    %reduce_min3A_222 = vector.multi_reduction <minsi>, %select_n3A_220, %reduce_min3A_221 [1] : vector<512x2048xi32> to vector<512xi32>
    %broadcast_in_dim3A_223 = vector.shape_cast %reduce_min3A_222 : vector<512xi32> to vector<512x1xi32>
    %eq3A_224 = vector.broadcast %broadcast_in_dim3A_223 : vector<512x1xi32> to vector<512x2048xi32>
    %eq3A_225 = arith.cmpi eq, %iota3A, %eq3A_224 : vector<512x2048xi32>
    %jit3A_226 = arith.constant 0x7F800000 : f32
    %broadcast_in_dim3A_227 = vector.broadcast %jit3A_226 : f32 to vector<512x2048xf32>
    %select_n3A_228 = arith.select %eq3A_225, %broadcast_in_dim3A_227, %select_n3A_212 : vector<512x2048xi1>, vector<512x2048xf32>
    %reduce_min3A_229 = arith.constant dense<0x7F800000> : vector<512xf32>
    %reduce_min3A_230 = vector.multi_reduction <minimumf>, %select_n3A_228, %reduce_min3A_229 [1] : vector<512x2048xf32> to vector<512xf32>
    %broadcast_in_dim3A_231 = vector.shape_cast %reduce_min3A_230 : vector<512xf32> to vector<512x1xf32>
    %eq3A_232 = vector.broadcast %broadcast_in_dim3A_231 : vector<512x1xf32> to vector<512x2048xf32>
    %eq3A_233 = arith.cmpf oeq, %select_n3A_228, %eq3A_232 : vector<512x2048xf32>
    %jit3A_234 = arith.constant 2048 : i32
    %broadcast_in_dim3A_235 = vector.broadcast %jit3A_234 : i32 to vector<512x2048xi32>
    %select_n3A_236 = arith.select %eq3A_233, %iota3A, %broadcast_in_dim3A_235 : vector<512x2048xi1>, vector<512x2048xi32>
    %reduce_min3A_237 = arith.constant dense<2147483647> : vector<512xi32>
    %reduce_min3A_238 = vector.multi_reduction <minsi>, %select_n3A_236, %reduce_min3A_237 [1] : vector<512x2048xi32> to vector<512xi32>
    %broadcast_in_dim3A_239 = vector.shape_cast %reduce_min3A_238 : vector<512xi32> to vector<512x1xi32>
    %eq3A_240 = vector.broadcast %broadcast_in_dim3A_239 : vector<512x1xi32> to vector<512x2048xi32>
    %eq3A_241 = arith.cmpi eq, %iota3A, %eq3A_240 : vector<512x2048xi32>
    %jit3A_242 = arith.constant 0x7F800000 : f32
    %broadcast_in_dim3A_243 = vector.broadcast %jit3A_242 : f32 to vector<512x2048xf32>
    %select_n3A_244 = arith.select %eq3A_241, %broadcast_in_dim3A_243, %select_n3A_228 : vector<512x2048xi1>, vector<512x2048xf32>
    %reduce_min3A_245 = arith.constant dense<0x7F800000> : vector<512xf32>
    %reduce_min3A_246 = vector.multi_reduction <minimumf>, %select_n3A_244, %reduce_min3A_245 [1] : vector<512x2048xf32> to vector<512xf32>
    %broadcast_in_dim3A_247 = vector.shape_cast %reduce_min3A_246 : vector<512xf32> to vector<512x1xf32>
    %eq3A_248 = vector.broadcast %broadcast_in_dim3A_247 : vector<512x1xf32> to vector<512x2048xf32>
    %eq3A_249 = arith.cmpf oeq, %select_n3A_244, %eq3A_248 : vector<512x2048xf32>
    %jit3A_250 = arith.constant 2048 : i32
    %broadcast_in_dim3A_251 = vector.broadcast %jit3A_250 : i32 to vector<512x2048xi32>
    %select_n3A_252 = arith.select %eq3A_249, %iota3A, %broadcast_in_dim3A_251 : vector<512x2048xi1>, vector<512x2048xi32>
    %reduce_min3A_253 = arith.constant dense<2147483647> : vector<512xi32>
    %reduce_min3A_254 = vector.multi_reduction <minsi>, %select_n3A_252, %reduce_min3A_253 [1] : vector<512x2048xi32> to vector<512xi32>
    %broadcast_in_dim3A_255 = vector.shape_cast %reduce_min3A_254 : vector<512xi32> to vector<512x1xi32>
    %eq3A_256 = vector.broadcast %broadcast_in_dim3A_255 : vector<512x1xi32> to vector<512x2048xi32>
    %eq3A_257 = arith.cmpi eq, %iota3A, %eq3A_256 : vector<512x2048xi32>
    %jit3A_258 = arith.constant 0x7F800000 : f32
    %broadcast_in_dim3A_259 = vector.broadcast %jit3A_258 : f32 to vector<512x2048xf32>
    %select_n3A_260 = arith.select %eq3A_257, %broadcast_in_dim3A_259, %select_n3A_244 : vector<512x2048xi1>, vector<512x2048xf32>
    %reduce_min3A_261 = arith.constant dense<0x7F800000> : vector<512xf32>
    %reduce_min3A_262 = vector.multi_reduction <minimumf>, %select_n3A_260, %reduce_min3A_261 [1] : vector<512x2048xf32> to vector<512xf32>
    %broadcast_in_dim3A_263 = vector.shape_cast %reduce_min3A_262 : vector<512xf32> to vector<512x1xf32>
    %eq3A_264 = vector.broadcast %broadcast_in_dim3A_263 : vector<512x1xf32> to vector<512x2048xf32>
    %eq3A_265 = arith.cmpf oeq, %select_n3A_260, %eq3A_264 : vector<512x2048xf32>
    %jit3A_266 = arith.constant 2048 : i32
    %broadcast_in_dim3A_267 = vector.broadcast %jit3A_266 : i32 to vector<512x2048xi32>
    %select_n3A_268 = arith.select %eq3A_265, %iota3A, %broadcast_in_dim3A_267 : vector<512x2048xi1>, vector<512x2048xi32>
    %reduce_min3A_269 = arith.constant dense<2147483647> : vector<512xi32>
    %reduce_min3A_270 = vector.multi_reduction <minsi>, %select_n3A_268, %reduce_min3A_269 [1] : vector<512x2048xi32> to vector<512xi32>
    %broadcast_in_dim3A_271 = vector.shape_cast %reduce_min3A_270 : vector<512xi32> to vector<512x1xi32>
    %concatenate3A = tpu.concatenate %broadcast_in_dim3A_31, %broadcast_in_dim3A_47, %broadcast_in_dim3A_63, %broadcast_in_dim3A_79, %broadcast_in_dim3A_95, %broadcast_in_dim3A_111, %broadcast_in_dim3A_127, %broadcast_in_dim3A_143, %broadcast_in_dim3A_159, %broadcast_in_dim3A_175, %broadcast_in_dim3A_191, %broadcast_in_dim3A_207, %broadcast_in_dim3A_223, %broadcast_in_dim3A_239, %broadcast_in_dim3A_255, %broadcast_in_dim3A_271 in 1 : vector<512x1xi32>, vector<512x1xi32>, vector<512x1xi32>, vector<512x1xi32>, vector<512x1xi32>, vector<512x1xi32>, vector<512x1xi32>, vector<512x1xi32>, vector<512x1xi32>, vector<512x1xi32>, vector<512x1xi32>, vector<512x1xi32>, vector<512x1xi32>, vector<512x1xi32>, vector<512x1xi32>, vector<512x1xi32> -> vector<512x16xi32>
    %swap3A = arith.constant 0 : index
    %swap3A_272 = arith.constant 0 : index
    %swap3A_273 = arith.constant 0 : index
    %swap3A_274 = vector.load %arg5[%swap3A, %swap3A_272, %swap3A_273] : memref<1x512x16xi32, #tpu.memory_space<vmem>>, vector<1x512x16xi32>
    %swap3A_275 = vector.shape_cast %swap3A_274 : vector<1x512x16xi32> to vector<512x16xi32>
    %swap3A_276 = vector.shape_cast %concatenate3A : vector<512x16xi32> to vector<1x512x16xi32>
    tpu.vector_store %arg5[%swap3A, %swap3A_272, %swap3A_273], %swap3A_276 {strides = array<i32>} : memref<1x512x16xi32, #tpu.memory_space<vmem>>, vector<1x512x16xi32>,
    return
  }
  func.func @transform_0(%arg0: i32, %arg1: i32) -> (i32, i32, i32) {
    %c0_i32 = arith.constant 0 : i32
    %c0_i32_0 = arith.constant 0 : i32
    return %arg0, %arg1, %c0_i32 : i32, i32, i32
  }
  func.func @transform_1(%arg0: i32, %arg1: i32) -> (i32, i32, i32) {
    %c0_i32 = arith.constant 0 : i32
    %c0_i32_0 = arith.constant 0 : i32
    %c0_i32_1 = arith.constant 0 : i32
    return %arg0, %c0_i32, %c0_i32_0 : i32, i32, i32
  }
  func.func @transform_2(%arg0: i32, %arg1: i32) -> (i32, i32, i32) {
    %c0_i32 = arith.constant 0 : i32
    %c0_i32_0 = arith.constant 0 : i32
    %c0_i32_1 = arith.constant 0 : i32
    return %arg0, %c0_i32, %c0_i32_0 : i32, i32, i32
  }
  func.func @transform_3(%arg0: i32, %arg1: i32) -> (i32, i32, i32) {
    %c0_i32 = arith.constant 0 : i32
    %c0_i32_0 = arith.constant 0 : i32
    return %arg0, %arg1, %c0_i32 : i32, i32, i32
  }
}

</mosaic_0001>

<sc_bundles>
// kernel: kernel.4.cloned.1.call-start
scs
__scs_entry_jumppad:
0x0: {  	(pc) =	sbr.rel $0x88, $3  }
0x1: {  	(tag) =	ssettag $0x0;
	lr =	simm.s32 $0x1  }
0x2: {  	[smem:$0x3FA0] =	sst lr;
	_ =	strace $0xD0000000  }
0x3: {  	_ = 	snop  }
0x4: {  	_ = 	snop  }
0x5: {  	_ = 	snop  }
0x6: {  	_ = 	snop  }
0x7: {  	_ = 	snop  }
__scs_overlays_trampoline_lowered:
0x8: {  	[smem:$0x3FAF] =	sst s0  }
0x9: {  	[smem:$0x3FB0] =	sst s1  }
0xa: {  	[smem:$0x3FB1] =	sst s2  }
0xb: {  	[smem:$0x3FB2] =	sst s3  }
0xc: {  	[smem:$0x3FB3] =	sst s4  }
0xd: {  	[smem:$0x3FB4] =	sst s5  }
0xe: {  	[smem:$0x3FB5] =	sst s6  }
0xf: {  	[smem:$0x3FB6] =	sst s7  }
0x10: {  	[smem:$0x3FB7] =	sst s8  }
0x11: {  	[smem:$0x3FB8] =	sst s9;
	s0 =	simm.s32 @!p0 $0x0  }
0x12: {  	s1 =	sld [smem:$0x3F9E];
	s0 =	simm.s32 @p0 $0x1  }
0x13: {  	[smem:$0x3FB9] =	sst s0;
	s0 =	simm.s32 @!p1 $0x0  }
0x14: {  	s2 =	sld [smem:$0x3F9D];
	s0 =	simm.s32 @p1 $0x1  }
0x15: {  	[smem:$0x3FBA] =	sst s0;
	s0 =	simm.s32 @!p2 $0x0  }
0x16: {  	s3 =	sld [smem:$0x3FDB];
	s0 =	simm.s32 @p2 $0x1  }
0x17: {  	s4 =	simm.s32 $0x1BF5;
	[smem:$0x3FBC] =	sst s0  }
0x18: {  	s0 =	sld [smem:$0x3F9F];
	_ =	swait.ge [sflag:s4], $0x0  }
0x19: {  	s7 =	sld [smem:$0x3FA0]  }
0x1a: {  	s8 =	sadd.s32 $0xFFFFE003, lr  }
0x1b: {  	s9 =	sadd.s32 $0xFFFFFEF7, lr;
	s5 =	simm.s32 $0xFFFFFFFF;
	p2 =	slt.u32 s8, $0xFFFFF086  }
0x1c: {  	p1 =	slt.u32 s9, $0xF7A;
	s5 =	simm.s32 @!p2 $0x0  }
0x1d: {  	s5 =	simm.s32 @p1 $0x1;
	p0 =	seq.s32 s7, s2  }
0x1e: {  	s7 =	smul.u32 @!p0 $0xF7A, s2;
	p2 =	seq.s32 @!p0 s5, $0x0  }
0x1f: {  	s9 =	smul.u32 $0xF7A, s1;
	s8 =	simm.s32 @!p0 $0x1BF5;
	p2 =	por !p2, p0  }
0x20: {  	[sflag:s8] =	ssyncset.s32 @!p0 $0xFFFFF086;
	s6 =	sadd.s32 @!p0 s3, s7;
	s7 =	simm.s32 @!p0 $0x108  }
0x21: {  	s3 =	sadd.s32 s3, s9;
	s6 =	sadd.s32 @!p0 $0x88, s6;
	s7 =	simm.s32 @p2 $0x1082  }
0x22: {  	[simem:s7], [sflag:s8] =	dma.local @!p0 [hbm:s6], $0xF7A  }
0x23: {  	s9 =	sor.u32 $0xD0000000, s2;
	s6 =	simm.s32 $0x108;
	_ =	swait.ge @!p0 [sflag:s8], $0x0  }
0x24: {  	s3 =	sadd.s32 $0x88, s3;
	s6 =	simm.s32 @!p1 $0x1082;
	[sflag:s4] =	ssyncset.s32 $0xFFFFF086  }
0x25: {  	[simem:s6], [sflag:s4] =	dma.local [hbm:s3], $0xF7A  }
0x26: {  	[smem:$0x3FA0] =	sst s1;
	(tag) =	ssettag s2;
	_ =	strace s9  }
0x27: {  	s1 =	sld [smem:$0x3FB0]  }
0x28: {  	s2 =	sld [smem:$0x3FB1]  }
0x29: {  	s4 =	sld [smem:$0x3FB3]  }
0x2a: {  	p0 =	seq.s32 s5, $0x0;
	s5 =	sld [smem:$0x3FB4]  }
0x2b: {  	s6 =	sld [smem:$0x3FB5]  }
0x2c: {  	s7 =	sld [smem:$0x3FB6]  }
0x2d: {  	s3 =	simm.s32 $0x108;
	s8 =	sld [smem:$0x3FB7]  }
0x2e: {  	s3 =	simm.s32 @!p0 $0x1082;
	s9 =	sld [smem:$0x3FB8]  }
0x2f: {  	lr =	sadd.s32 s0, s3;
	s0 =	sld [smem:$0x3FAF]  }
0x30: {  	s3 =	sld [smem:$0x3FB2]  }
0x31: {  	[smem:$0x3FBB] =	sst s10  }
0x32: {  	s10 =	sld [smem:$0x3FB9];
	_ =	sdelay $0x3  }
0x33: {  	p0 =	seq.s32 s10, $0x1;
	s10 =	sld [smem:$0x3FBB];
	_ =	sdelay $0x3  }
0x34: {  	[smem:$0x3FBB] =	sst s10  }
0x35: {  	s10 =	sld [smem:$0x3FBA];
	_ =	sdelay $0x3  }
0x36: {  	p1 =	seq.s32 s10, $0x1;
	s10 =	sld [smem:$0x3FBB];
	_ =	sdelay $0x3  }
0x37: {  	[smem:$0x3FBB] =	sst s10  }
0x38: {  	s10 =	sld [smem:$0x3FBC]  }
0x39: {  	_ = 	snop;
	(pc) =	sbr.ind lr, $3  }
0x3a: {  	_ = 	snop  }
0x3b: {  	_ = 	snop  }
0x3c: {  	p2 =	seq.s32 s10, $0x1;
	s10 =	sld [smem:$0x3FBB]  }
0x3d: {  	_ =	shalt  }
0x3e: {  	_ =	shalt  }
0x3f: {  	_ =	shalt  }
0x40: {  	_ =	shalt  }
0x41: {  	_ =	shalt  }
0x42: {  	_ =	shalt  }
0x43: {  	_ =	shalt  }
0x44: {  	_ =	shalt  }
0x45: {  	_ =	shalt  }
0x46: {  	_ =	shalt  }
0x47: {  	_ =	shalt  }
0x48: {  	_ =	shalt  }
0x49: {  	_ =	shalt  }
0x4a: {  	_ =	shalt  }
0x4b: {  	_ =	shalt  }
0x4c: {  	_ =	shalt  }
0x4d: {  	_ =	shalt  }
0x4e: {  	_ =	shalt  }
0x4f: {  	_ =	shalt  }
0x50: {  	_ =	shalt  }
0x51: {  	_ =	shalt  }
0x52: {  	_ =	shalt  }
0x53: {  	_ =	shalt  }
0x54: {  	_ =	shalt  }
0x55: {  	_ =	shalt  }
0x56: {  	_ =	shalt  }
0x57: {  	_ =	shalt  }
0x58: {  	_ =	shalt  }
0x59: {  	_ =	shalt  }
0x5a: {  	_ =	shalt  }
0x5b: {  	_ =	shalt  }
0x5c: {  	_ =	shalt  }
0x5d: {  	_ =	shalt  }
0x5e: {  	_ =	shalt  }
0x5f: {  	_ =	shalt  }
0x60: {  	_ =	shalt  }
0x61: {  	_ =	shalt  }
0x62: {  	_ =	shalt  }
0x63: {  	_ =	shalt  }
0x64: {  	_ =	shalt  }
0x65: {  	_ =	shalt  }
0x66: {  	_ =	shalt  }
0x67: {  	_ =	shalt  }
0x68: {  	_ =	shalt  }
0x69: {  	_ =	shalt  }
0x6a: {  	_ =	shalt  }
0x6b: {  	_ =	shalt  }
0x6c: {  	_ =	shalt  }
0x6d: {  	_ =	shalt  }
0x6e: {  	_ =	shalt  }
0x6f: {  	_ =	shalt  }
0x70: {  	_ =	shalt  }
0x71: {  	_ =	shalt  }
0x72: {  	_ =	shalt  }
0x73: {  	_ =	shalt  }
0x74: {  	_ =	shalt  }
0x75: {  	_ =	shalt  }
0x76: {  	_ =	shalt  }
0x77: {  	_ =	shalt  }
0x78: {  	_ =	shalt  }
0x79: {  	_ =	shalt  }
0x7a: {  	_ =	shalt  }
0x7b: {  	_ =	shalt  }
0x7c: {  	_ =	shalt  }
0x7d: {  	_ =	shalt  }
0x7e: {  	_ =	shalt  }
0x7f: {  	_ =	shalt  }
0x80: {  	_ =	shalt  }
0x81: {  	_ =	shalt  }
0x82: {  	_ =	shalt  }
0x83: {  	_ =	shalt  }
0x84: {  	_ =	shalt  }
0x85: {  	_ =	shalt  }
0x86: {  	_ =	shalt  }
0x87: {  	_ =	shalt  }
.Lfunc_end0:
.L_simem_size_0:
called_computation_lowered:
.L_overlay_start_0:
0x88: {  	s2 =	sld [smem:$0x3FD9]  }
0x89: {  	s3 =	sld [smem:$0x3FFE];
	_ =	sdelay $0x1  }
0x8a: {  	s1 =	srdreg.scid  }
0x8b: {  	s0 =	sand.u32 $0x1, s1  }
0x8c: {  	s14 =	sshll.u32 s0, $0xA;
	s2 =	sadd.s32 s3, s2  }
0x8d: {  	s2 =	sadd.s32 s2, s14  }
0x8e: {  	[smem:$0x3FC7] =	sst s2  }
0x8f: {  	_ = 	snop  }
0x90: {  	s2 =	sld [smem:$0x3FD0];
	_ =	sdelay $0x2  }
0x91: {  	s15 =	simm.s32 $0xA;
	s4 =	simm.s32 $0x10  }
0x92: {  	[smem:s4], [sflag:s15] =	dma.local [hbm:s2], $0x1  }
0x93: {  	_ =	swait.eq [sflag:s15], $0x1  }
0x94: {  	[sflag:s15] =	ssyncset.done $0x0  }
0x95: {  	[sflag:s15] =	ssyncadd.s32 $0xFFFFFFFF  }
0x96: {  	s16 =	sld [smem:$0x10];
	(tm) =	ssettm $0x1  }
0x97: {  	s17 =	sld [smem:$0x3FFB];
	_ =	sdelay $0x3  }
0x98: {  	_ =	strace s17  }
0x99: {  	s3 =	sld [smem:$0x3FFC];
	_ =	sdelay $0x3  }
0x9a: {  	_ =	strace s3  }
0x9b: {  	s3 =	sld [smem:$0x3FFD];
	_ =	sdelay $0x3  }
0x9c: {  	_ =	strace s3  }
0x9d: {  	_ =	strace $0x8FFFFFFF  }
0x9e: {  	s18 =	sld [smem:$0x3FDB];
	_ =	sdelay $0x1  }
0x9f: {  	s19 =	simm.s32 $_scs_section_size  }
0xa0: {  	s5 =	simm.s32 $_size__tile_overlayer_lowered;
	s6 =	simm.s32 $_tile_overlayer_lowered  }
0xa1: {  	s22 =	simm.s32 $0x1BFF;
	s21 =	sshll.u32 s6, $0x1;
	s3 =	sadd.s32 s19, s18  }
0xa2: {  	s7 =	simm.s32 $0x0;
	s20 =	sshll.u32 s5, $0x1;
	s5 =	sadd.s32 s21, s3  }
0xa3: {  	[timem:s7], [sflag:s22] =	dma.local [hbm:s5], s20  }
0xa4: {  	_ =	swait.ge [sflag:s22], s20  }
0xa5: {  	s4 =	ssub.s32 $0x0, s20;
	[sflag:s22] =	ssyncset.done $0x0  }
0xa6: {  	[sflag:s22] =	ssyncadd.s32 s4;
	_ =	sdelay $0x1  }
0xa7: {  	s23 =	simm.s32 $0x1B8B  }
0xa8: {  	_ =	swait.ge [sflag:s23], $0x1  }
0xa9: {  	[sflag:s23] =	ssyncset.done $0x0  }
0xaa: {  	s25 =	simm.s32 $0x1B8E;
	s24 =	sld [smem:$0x3FFE];
	[sflag:s23] =	ssyncadd.s32 $0xFFFFFFFF  }
0xab: {  	s26 =	simm.s32 $execute0_lowered;
	[smem:$0x3FD2] =	sst s25  }
0xac: {  	s5 =	sshll.u32 s26, $0x1;
	_ =	strace $0x80000046;
	[dreg:$0x1] =	wrdreg $0xFFFFFFFF  }
0xad: {  	s28 =	simm.s32 $_size_execute0_lowered;
	s3 =	sadd.s32 s3, s5;
	[dreg:$0x0] =	wrdreg $0x0  }
0xae: {  	s5 =	sshll.u32 s28, $0x1;
	[dreg:$0x2] =	wrdreg s3  }
0xaf: {  	[dreg:$0x3] =	wrdreg s5  }
0xb0: {  	[dreg:$0x4] =	wrdreg $0xC0  }
0xb1: {  	_ =	task [dreg:s7], $0x5FFFF  }
0xb2: {  	[dreg:$0x1] =	wrdreg $0xFFFFFFFF  }
0xb3: {  	[dreg:$0x0] =	wrdreg $0x60  }
0xb4: {  	[dreg:$0x2] =	wrdreg s24  }
0xb5: {  	[dreg:$0x3] =	wrdreg s16  }
0xb6: {  	[dreg:$0x4] =	wrdreg $0x9  }
0xb7: {  	_ =	task.clear_ibuf [dreg:s7], $0x5FFFF;
	_ =	strace $0x90000046  }
0xb8: {  	s29 =	simm.s32 $0x9;
	_ =	strace $0x80000048  }
0xb9: {  	_ =	swait.ge [sflag:s29], $0x1  }
0xba: {  	[sflag:s29] =	ssyncadd.s32 $0xFFFFFFFF  }
0xbb: {  	_ =	strace $0x90000048  }
0xbc: {  	_ =	sfence  }
0xbd: {  	s30 =	sld [smem:$0x0];
	_ =	sdelay $0x2  }
0xbe: {  	s31 =	sshll.u32 s1, $0xD;
	s1 =	sshrl.u32 s1, $0x2  }
0xbf: {  	s3 =	sand.u32 $0x4000, s31;
	s1 =	sadd.s32 s1, s30  }
0xc0: {  	s0 =	sor.u32 s3, s0;
	s1 =	sshll.u32 s1, $0x11  }
0xc1: {  	s0 =	sor.u32 s1, s0  }
0xc2: {  	s0 =	sadd.s32 $0x8F2B, s0  }
0xc3: {  	[sflag:s0] =	ssyncadd.remote.s32 $0x1  }
0xc4: {  	_ =	sfence.sel $0xFFFF  }
0xc5: {  	[dreg:$0x0] =	wrdreg $0xFFFFFFFF;
	(pc) =	sbr.abs _section_cstart, $3  }
0xc6: {  	[dreg:$0x1] =	wrdreg $0xFFFFFFFF  }
0xc7: {  	_ =	task.clear_ibuf [dreg:s7], $0x2FFFF;
	_ =	strace $0x9FFFFFFF  }
0xc8: {  	(tm) =	ssettm $0x7FFFFFFF  }
0xc9: {  	_ =	shalt  }
tec
execute0_lowered:
.L_overlay_start_1:
0x0: {  	(tag) =	ssettag $0x1  }
0x1: {  	s3 =	rddreg [dreg:$0x0]  }
0x2: {  	s6 =	rddreg [dreg:$0x1]  }
0x3: {  	s0 =	rddreg [dreg:$0x2];
	s2 =	simm.s32 $0x0  }
0x4: {  	s1 =	stileid.u32;
	s4 =	srdreg.scid;
	s11 =	simm.s32 $0x0  }
0x5: {  	[smem:$0x7FF] =	sst s2;
	s5 =	sand.u32 $0x1, s4;
	s30 =	sshll.u32 s1, $0x1  }
0x6: {  	s7 =	sshll.u32 s1, $0xB;
	_ =	strace $0x80000047;
	s4 =	sor.u32 s5, s30  }
0x7: {  	s8 =	ssub.s32 $0x2, s5;
	s7 =	sadd.s32 s7, s3;
	s5 =	sshll.u32 s5, $0xA  }
0x8: {  	s9 =	sshll.u32 s4, $0xB;
	s10 =	sshrl.u32 s8, $0x1;
	s31 =	smul.u32 $0x1800, s4  }
0x9: {  	s9 =	sadd.s32 s9, s3;
	s8 =	ssub.s32 s8, s10;
	s3 =	sadd.s32 $0x800, s7  }
0xa: {  	s10 =	simm.s32 $0x8000;
	s4 =	sadd.s32 $0x80800, s9;
	s6 =	sadd.s32 s6, s31  }
0xb: {  	v0 =	vlaneseq.u32;
	v1 =	vimm.s32 $0x0;
	s7 =	smax.u32 s8, $0x1;
	s8 =	simm.s32 $0x1;
	s9 =	simm.s32 $0x4000  }
.LBB2_1:
0xc: {  	s12 =	simm.s32 $0x0  }
0xd: {  	v2 =	vor.u32 s12, v0  }
0xe: {  	v3 =	vmulhi.u32 $0xAAAAAAAB, v2;
	_ =	sdelay $0x1  }
0xf: {  	v3 =	vshrl.u32 v3, $0x1  }
0x10: {  	v4 =	vmul.u32 $0xFFFFFFFD, v3  }
0x11: {  	v5 =	vmov s12;
	v6 =	vsub.s32 $0x0, v2  }
0x12: {  	[tilespmem:s2], [sflag:$0x1] =	stream.linear.gather [hbm4b:s3+s2], $0x4000, $0x38;
	vm0 =	veq.s32 v5, v0;
	vm1 =	vne.s32 v4, v6;
	[tilespmem:$0x14000] =	vst v63  }
0x13: {  	_ =	swait.ge [sflag:s8], $0x4000;
	vm0 =	vmand vm0, vm1  }
0x14: {  	[sflag:s8] =	ssyncset.done $0x0;
	v4 =	vsel vm0, $0xFFFFFFFF, v1  }
0x15: {  	[sflag:s8] =	ssyncadd.s32 $0xFFFFC000;
	v3 =	vadd.s32 v4, v3  }
0x16: {  	[tilespmem:s9], [sflag:$0x1] =	stream.linear.gather [hbm4b:s4+s2], $0x4000, $0x38;
	[tilespmem:$0x14000] =	vst v63  }
0x17: {  	_ =	swait.ge [sflag:s8], $0x4000  }
0x18: {  	[sflag:s8] =	ssyncset.done $0x0  }
0x19: {  	[sflag:s8] =	ssyncadd.s32 $0xFFFFC000  }
0x1a: {  	v4 =	vld.idx.msk [tilespmem:v3+s9+$0x0], $0xffff  }
0x1b: {  	v3 =	vmul.u32 $0xFFFFFFFD, v3;
	_ =	sdelay $0x1  }
0x1c: {  	v2 =	vadd.s32 v2, v3  }
0x1d: {  	s13 =	sshll.u32 s5, $0x3;
	v3 =	vand.u32 $0xFFFFFFF8, v2  }
0x1e: {  	v2 =	vand.u32 $0x7, v2;
	v5 =	vadd.s32 s13, v3;
	v4 =	vshll.u32 v4, $0x3  }
0x1f: {  	v3 =	vadd.s32 v3, v4;
	v4 =	vor.u32 v2, v5  }
0x20: {  	v2 =	vor.u32 v2, v3;
	_ =	sdelay $0x3  }
0x21: {  	s31 =	simm.s32 $0x10;
	v3 =	vld.idx.msk [tilespmem:v4+s2+$0x0], $0xffff  }
0x22: {  	v4 =	vor.u32 s31, v0;
	v2 =	vld.idx.msk [tilespmem:v2+s2+$0x0], $0xffff  }
0x23: {  	v5 =	vmulhi.u32 $0xAAAAAAAB, v4;
	_ =	sdelay $0x1  }
0x24: {  	v5 =	vshrl.u32 v5, $0x1;
	_ =	sdelay $0x1  }
0x25: {  	v2 =	vsub.f32 v2, v3  }
0x26: {  	s12 =	simm.s32 $0x8010  }
0x27: {  	[tilespmem:s12+$0xFFFFFFF0] =	vst v2  }
0x28: {  	v2 =	vld.idx.msk [tilespmem:v5+s9+$0x0], $0xffff  }
0x29: {  	v3 =	vmul.u32 $0xFFFFFFFD, v5;
	_ =	sdelay $0x1  }
0x2a: {  	v3 =	vadd.s32 v4, v3  }
0x2b: {  	v4 =	vand.u32 $0xFFFFFFF8, v3  }
0x2c: {  	v3 =	vand.u32 $0x7, v3;
	v5 =	vadd.s32 s13, v4;
	v2 =	vshll.u32 v2, $0x3  }
0x2d: {  	v5 =	vor.u32 v3, v5;
	v2 =	vadd.s32 v4, v2  }
0x2e: {  	v2 =	vor.u32 v3, v2;
	_ =	sdelay $0x3  }
0x2f: {  	s14 =	simm.s32 $0x20;
	v3 =	vld.idx.msk [tilespmem:v5+s2+$0x0], $0xffff  }
0x30: {  	v4 =	vor.u32 s14, v0;
	v2 =	vld.idx.msk [tilespmem:v2+s2+$0x0], $0xffff  }
0x31: {  	v5 =	vmulhi.u32 $0xAAAAAAAB, v4;
	_ =	sdelay $0x1  }
0x32: {  	v5 =	vshrl.u32 v5, $0x1  }
0x33: {  	v6 =	vmul.u32 $0xFFFFFFFD, v5  }
0x34: {  	v2 =	vsub.f32 v2, v3  }
0x35: {  	v3 =	vadd.s32 v4, v6  }
0x36: {  	v4 =	vand.u32 $0xFFFFFFF8, v3;
	[tilespmem:s12+$0x0] =	vst v2  }
0x37: {  	v3 =	vand.u32 $0x7, v3;
	v2 =	vadd.s32 s13, v4;
	v5 =	vld.idx.msk [tilespmem:v5+s9+$0x0], $0xffff  }
0x38: {  	v2 =	vor.u32 v3, v2;
	_ =	sdelay $0x3  }
0x39: {  	s16 =	simm.s32 $0x30;
	v5 =	vshll.u32 v5, $0x3  }
0x3a: {  	s15 =	simm.s32 $0x80;
	s14 =	smov.u32 s5;
	s13 =	simm.s32 $0x50;
	v2 =	vld.idx.msk [tilespmem:v2+s2+$0x0], $0xffff;
	v4 =	vadd.s32 v4, v5  }
.LBB2_2:
0x3b: {  	p0 =	sne.s32 s15, $0xBFF0;
	v5 =	vor.u32 s16, v0;
	v3 =	vor.u32 v3, v4  }
0x3c: {  	v4 =	vmulhi.u32 $0xAAAAAAAB, v5;
	_ =	sdelay $0x1  }
0x3d: {  	v4 =	vshrl.u32 v4, $0x1  }
0x3e: {  	v6 =	vmul.u32 $0xFFFFFFFD, v4  }
0x3f: {  	v7 =	vmov s16;
	v8 =	vsub.s32 $0x0, v5;
	v3 =	vld.idx.msk [tilespmem:v3+s2+$0x0], $0xffff  }
0x40: {  	vm0 =	veq.s32 v7, v0;
	vm1 =	vne.s32 v6, v8  }
0x41: {  	vm0 =	vmand vm0, vm1  }
0x42: {  	v6 =	vsel vm0, $0xFFFFFFFF, v1  }
0x43: {  	v4 =	vadd.s32 v6, v4;
	_ =	sdelay $0x1  }
0x44: {  	v2 =	vsub.f32 v3, v2;
	_ =	sdelay $0x1  }
0x45: {  	[tilespmem:s12+$0x10] =	vst v2  }
0x46: {  	v2 =	vld.idx.msk [tilespmem:v4+s9+$0x0], $0xffff;
	_ =	sdelay $0x1  }
0x47: {  	v3 =	vmul.u32 $0xFFFFFFFD, v4;
	_ =	sdelay $0x1  }
0x48: {  	s14 =	sadd.s32 $0x1, s14;
	v3 =	vadd.s32 v5, v3  }
0x49: {  	s16 =	sshll.u32 s14, $0x3;
	v4 =	vand.u32 $0xFFFFFFF8, v3  }
0x4a: {  	v3 =	vand.u32 $0x7, v3;
	v5 =	vadd.s32 s16, v4;
	v2 =	vshll.u32 v2, $0x3  }
0x4b: {  	v2 =	vadd.s32 v4, v2;
	v4 =	vor.u32 v3, v5  }
0x4c: {  	s17 =	sadd.s32 $0xFFFFFFF0, s13;
	v2 =	vor.u32 v3, v2  }
0x4d: {  	v3 =	vor.u32 s17, v0  }
0x4e: {  	v5 =	vmulhi.u32 $0xAAAAAAAB, v3;
	_ =	sdelay $0x1  }
0x4f: {  	v5 =	vshrl.u32 v5, $0x1;
	v4 =	vld.idx.msk [tilespmem:v4+s2+$0x0], $0xffff  }
0x50: {  	v6 =	vmul.u32 $0xFFFFFFFD, v5;
	v2 =	vld.idx.msk [tilespmem:v2+s2+$0x0], $0xffff;
	_ =	sdelay $0x1  }
0x51: {  	v3 =	vadd.s32 v3, v6  }
0x52: {  	v6 =	vand.u32 $0xFFFFFFF8, v3  }
0x53: {  	v3 =	vand.u32 $0x7, v3;
	v7 =	vadd.s32 s16, v6  }
0x54: {  	v7 =	vor.u32 v3, v7  }
0x55: {  	v2 =	vsub.f32 v2, v4  }
0x56: {  	s12 =	sadd.s32 $0x30, s12  }
0x57: {  	[tilespmem:s12+$0xFFFFFFF0] =	vst v2  }
0x58: {  	v2 =	vld.idx.msk [tilespmem:v5+s9+$0x0], $0xffff  }
0x59: {  	v4 =	vld.idx.msk [tilespmem:v7+s2+$0x0], $0xffff;
	_ =	sdelay $0x4  }
0x5a: {  	v2 =	vshll.u32 v2, $0x3  }
0x5b: {  	v2 =	vadd.s32 v6, v2  }
0x5c: {  	v2 =	vor.u32 v3, v2  }
0x5d: {  	v3 =	vor.u32 s13, v0;
	s13 =	smov.u32 s15  }
0x5e: {  	v5 =	vmulhi.u32 $0xAAAAAAAB, v3;
	_ =	sdelay $0x1  }
0x5f: {  	v5 =	vshrl.u32 v5, $0x1  }
0x60: {  	v6 =	vmul.u32 $0xFFFFFFFD, v5;
	v2 =	vld.idx.msk [tilespmem:v2+s2+$0x0], $0xffff;
	_ =	sdelay $0x1  }
0x61: {  	v3 =	vadd.s32 v3, v6  }
0x62: {  	v6 =	vand.u32 $0xFFFFFFF8, v3  }
0x63: {  	v3 =	vand.u32 $0x7, v3;
	v7 =	vadd.s32 s16, v6  }
0x64: {  	v7 =	vor.u32 v3, v7  }
0x65: {  	v2 =	vsub.f32 v2, v4;
	_ =	sdelay $0x1  }
0x66: {  	[tilespmem:s12+$0x0] =	vst v2  }
0x67: {  	v4 =	vld.idx.msk [tilespmem:v5+s9+$0x0], $0xffff  }
0x68: {  	v2 =	vld.idx.msk [tilespmem:v7+s2+$0x0], $0xffff;
	_ =	sdelay $0x1  }
.Ltmp0:
0x69: {  	(pc) =	sbr.rel @p0 .LBB2_2-.Ltmp0, $3  }
0x6a: {  	_ =	sdelay $0x1  }
0x6b: {  	v4 =	vshll.u32 v4, $0x3  }
0x6c: {  	s15 =	sadd.s32 $0x30, s15;
	s16 =	sadd.s32 $0xFFFFFFE0, s13;
	v4 =	vadd.s32 v6, v4  }
0x6d: {  	v5 =	vor.u32 s16, v0  }
0x6e: {  	v3 =	vor.u32 v3, v4;
	v53 =	vmulhi.u32 $0xAAAAAAAB, v5;
	_ =	sdelay $0x1  }
0x6f: {  	v4 =	vshrl.u32 v53, $0x1  }
0x70: {  	v6 =	vmul.u32 $0xFFFFFFFD, v4  }
0x71: {  	v7 =	vmov s16;
	v8 =	vsub.s32 $0x0, v5  }
0x72: {  	vm0 =	veq.s32 v7, v0;
	v3 =	vld.idx.msk [tilespmem:v3+s2+$0x0], $0xffff;
	vm1 =	vne.s32 v6, v8  }
0x73: {  	vm0 =	vmand vm0, vm1  }
0x74: {  	v54 =	vsel vm0, $0xFFFFFFFF, v1  }
0x75: {  	v4 =	vadd.s32 v54, v4;
	_ =	sdelay $0x1  }
0x76: {  	v2 =	vsub.f32 v3, v2;
	_ =	sdelay $0x1  }
0x77: {  	[tilespmem:s12+$0x10] =	vst v2  }
0x78: {  	v2 =	vld.idx.msk [tilespmem:v4+s9+$0x0], $0xffff  }
0x79: {  	v3 =	vmul.u32 $0xFFFFFFFD, v4;
	_ =	sdelay $0x1  }
0x7a: {  	s14 =	sadd.s32 $0x1, s14;
	v3 =	vadd.s32 v5, v3  }
0x7b: {  	s14 =	sshll.u32 s14, $0x3;
	v55 =	vand.u32 $0xFFFFFFF8, v3  }
0x7c: {  	v3 =	vand.u32 $0x7, v3;
	v56 =	vadd.s32 s14, v55;
	v2 =	vshll.u32 v2, $0x3  }
0x7d: {  	v57 =	vor.u32 v3, v56;
	v2 =	vadd.s32 v55, v2  }
0x7e: {  	v2 =	vor.u32 v3, v2;
	_ =	sdelay $0x3  }
0x7f: {  	s15 =	sadd.s32 $0xFFFFFFF0, s13;
	v3 =	vld.idx.msk [tilespmem:v57+s2+$0x0], $0xffff  }
0x80: {  	v58 =	vor.u32 s15, v0;
	v2 =	vld.idx.msk [tilespmem:v2+s2+$0x0], $0xffff  }
0x81: {  	v59 =	vmulhi.u32 $0xAAAAAAAB, v58;
	_ =	sdelay $0x1  }
0x82: {  	v5 =	vshrl.u32 v59, $0x1;
	_ =	sdelay $0x1  }
0x83: {  	v2 =	vsub.f32 v2, v3  }
0x84: {  	s31 =	sadd.s32 $0x30, s12  }
0x85: {  	[tilespmem:s31+$0xFFFFFFF0] =	vst v2  }
0x86: {  	v2 =	vld.idx.msk [tilespmem:v5+s9+$0x0], $0xffff  }
0x87: {  	v3 =	vmul.u32 $0xFFFFFFFD, v5;
	_ =	sdelay $0x1  }
0x88: {  	v3 =	vadd.s32 v58, v3  }
0x89: {  	v4 =	vand.u32 $0xFFFFFFF8, v3  }
0x8a: {  	v3 =	vand.u32 $0x7, v3;
	v60 =	vadd.s32 s14, v4;
	v2 =	vshll.u32 v2, $0x3  }
0x8b: {  	v5 =	vor.u32 v3, v60;
	v2 =	vadd.s32 v4, v2  }
0x8c: {  	v2 =	vor.u32 v3, v2;
	_ =	sdelay $0x3  }
0x8d: {  	v3 =	vld.idx.msk [tilespmem:v5+s2+$0x0], $0xffff  }
0x8e: {  	v61 =	vor.u32 s13, v0;
	v2 =	vld.idx.msk [tilespmem:v2+s2+$0x0], $0xffff  }
0x8f: {  	v62 =	vmulhi.u32 $0xAAAAAAAB, v61;
	_ =	sdelay $0x1  }
0x90: {  	v5 =	vshrl.u32 v62, $0x1;
	_ =	sdelay $0x1  }
0x91: {  	v2 =	vsub.f32 v2, v3;
	_ =	sdelay $0x1  }
0x92: {  	[tilespmem:s31+$0x0] =	vst v2  }
0x93: {  	v2 =	vld.idx.msk [tilespmem:v5+s9+$0x0], $0xffff  }
0x94: {  	v3 =	vmul.u32 $0xFFFFFFFD, v5;
	_ =	sdelay $0x1  }
0x95: {  	v3 =	vadd.s32 v61, v3  }
0x96: {  	v4 =	vand.u32 $0xFFFFFFF8, v3  }
0x97: {  	v3 =	vand.u32 $0x7, v3;
	v63 =	vadd.s32 s14, v4;
	v2 =	vshll.u32 v2, $0x3  }
0x98: {  	v5 =	vor.u32 v3, v63;
	v2 =	vadd.s32 v4, v2  }
0x99: {  	v2 =	vor.u32 v3, v2;
	_ =	sdelay $0x3  }
0x9a: {  	v3 =	vld.idx.msk [tilespmem:v5+s2+$0x0], $0xffff  }
0x9b: {  	v2 =	vld.idx.msk [tilespmem:v2+s2+$0x0], $0xffff;
	_ =	sdelay $0x4  }
0x9c: {  	s11 =	sadd.s32 $0x1, s11;
	v2 =	vsub.f32 v2, v3  }
0x9d: {  	p0 =	sne.s32 s11, s7  }
.Ltmp1:
0x9e: {  	[tilespmem:s31+$0x10] =	vst v2;
	(pc) =	sbr.rel @p0 .LBB2_1-.Ltmp1, $4  }
0x9f: {  	[hbm4b:s6+s2] =	stream.linear.scatter [tilespmem:s10], [sflag:$0x1], $0xC000, $0x38;
	[tilespmem:$0x14000] =	vst v63  }
0xa0: {  	_ =	swait.ge [sflag:s8], $0xC000  }
0xa1: {  	[sflag:s8] =	ssyncset.done $0x0  }
0xa2: {  	[sflag:s8] =	ssyncadd.s32 $0xFFFF4000  }
0xa3: {  	_ =	sfence.sel $0x180000  }
0xa4: {  	[bflag:$0x0] =	sbarrier.arrive $0xFFFF  }
0xa5: {  	p0 =	sne.s32 s1, $0x0;
	_ =	strace $0x90000047  }
0xa6: {  	s0 =	sadd.s32 @!p0 $0x100000, s0;
	[bflag:$0x2] =	sbarrier.arrive $0xFFFF  }
0xa7: {  	[sflag:s0] =	ssyncadd.tile.s32 @!p0 $0x1;
	_ =	shalt  }
.Lfunc_end2:
_tile_overlayer_lowered:
.L_overlay_start_2:
0xa8: {  	(tag) =	ssettag $0x2  }
0xa9: {  	s0 =	rddreg [dreg:$0x0];
	s2 =	stileid.u32  }
0xaa: {  	s1 =	rddreg [dreg:$0x1];
	p0 =	sne.s32 s2, $0x0  }
0xab: {  	s3 =	rddreg [dreg:$0x2];
	[bflag:$0x3] =	sbarrier.arrive $0xFFFF;
	s2 =	simm.s32 @!p0 $0x1C01  }
0xac: {  	[timem:s3], [sflag:s2] =	dma.local @!p0 [hbm:s0], s1  }
0xad: {  	s0 =	simm.s32 @!p0 $0x1  }
0xae: {  	_ =	swait.ge @!p0 [sflag:s0], s1  }
0xaf: {  	s1 =	ssub.s32 @!p0 $0x0, s1;
	[sflag:s0] =	ssyncset.done @!p0 $0x0  }
0xb0: {  	[sflag:s0] =	ssyncadd.s32 @!p0 s1  }
0xb1: {  	[bflag:$0x3] =	sbarrier.arrive $0xFFFF  }
0xb2: {  	_ =	shalt  }

</sc_bundles>
